<compile_context>
chip_gen: v7x
topology: tpu7x:2x2x1
jax: 0.10.2.dev20260603
libtpu: 0.0.44.dev20260713+nightly
codegen_flags: <defaults>
</compile_context>

<pallas_src>
import functools

import jax
import jax.numpy as jnp
from jax import lax
from jax.experimental import pallas as pl
from jax.experimental.pallas import tpu as pltpu
from jax.experimental.pallas import tpu_sc as plsc

NEG = -1e30
BIGI = 1 << 30
CH = 128
TOPK = 8


def _k1_body(nblk, bq, bk, dk, q_ref, k_ref, qnrm_ref, knrm_ref,
             sims_ref, c_ref, qn_ref):
    j = pl.program_id(0)

    @pl.when(j == 0)
    def _():
        qn_ref[...] = q_ref[...] / (qnrm_ref[...] + 1e-8)

    kn = k_ref[...] / (knrm_ref[...] + 1e-8)
    sims = lax.dot_general(qn_ref[...].astype(jnp.bfloat16),
                           kn.astype(jnp.bfloat16),
                           dimension_numbers=(((1,), (1,)), ((), ())),
                           preferred_element_type=jnp.float32)
    cpb = bk // CH
    cm = []
    for c in range(cpb):
        blk = sims[:, c * CH:(c + 1) * CH]
        sims_ref[c] = blk
        cm.append(jnp.max(blk, axis=1, keepdims=True))
    c_ref[...] = jnp.concatenate(cm, axis=1)[None]


def _run_k1(q, keys, qnrm, knrm):
    bq, dk = q.shape
    n = keys.shape[0]
    bk = 2048
    nblk = n // bk
    return pl.pallas_call(
        functools.partial(_k1_body, nblk, bq, bk, dk),
        grid=(nblk,),
        in_specs=[
            pl.BlockSpec((bq, dk), lambda j: (0, 0)),
            pl.BlockSpec((bk, dk), lambda j: (j, 0)),
            pl.BlockSpec((bq, 1), lambda j: (0, 0)),
            pl.BlockSpec((bk, 1), lambda j: (j, 0)),
        ],
        out_specs=[
            pl.BlockSpec((bk // CH, bq, CH), lambda j: (j, 0, 0)),
            pl.BlockSpec((1, bq, bk // CH), lambda j: (j, 0, 0)),
        ],
        out_shape=[
            jax.ShapeDtypeStruct((n // CH, bq, CH), jnp.float32),
            jax.ShapeDtypeStruct((nblk, bq, bk // CH), jnp.float32),
        ],
        scratch_shapes=[pltpu.VMEM((bq, dk), jnp.float32)],
        compiler_params=pltpu.CompilerParams(
            dimension_semantics=("arbitrary",),
            vmem_limit_bytes=100 * 1024 * 1024,
        ),
    )(q, keys, qnrm, knrm)


def _chunk_top8_body(nchunk, bq, c_ref, out_ref):
    vals = c_ref[...]
    iota = lax.broadcasted_iota(jnp.int32, (bq, nchunk), 1)
    sels = []
    for _ in range(TOPK):
        m = jnp.max(vals, axis=1, keepdims=True)
        eq = vals == m
        sel = jnp.min(jnp.where(eq, iota, BIGI), axis=1, keepdims=True)
        sels.append(sel)
        vals = jnp.where(iota == sel, NEG, vals)
    pad = jnp.zeros((bq, CH - TOPK), jnp.int32)
    out_ref[...] = jnp.concatenate(sels + [pad], axis=1)


def _run_chunk_top8(c):
    bq, nchunk = c.shape
    return pl.pallas_call(
        functools.partial(_chunk_top8_body, nchunk, bq),
        out_shape=jax.ShapeDtypeStruct((bq, CH), jnp.int32),
        compiler_params=pltpu.CompilerParams(
            vmem_limit_bytes=100 * 1024 * 1024),
    )(c)


def _final_body(bq, ncand, cands_ref, chunk_ref, idx_ref, attn_ref, conf_ref):
    lane = lax.broadcasted_iota(jnp.int32, (bq, CH), 1)
    kidx = jnp.concatenate(
        [chunk_ref[:, s:s + 1] * CH + lane for s in range(TOPK)], axis=1)
    c3 = cands_ref[...]
    vals = jnp.concatenate([c3[:, s, :] for s in range(TOPK)], axis=1)
    tvs, tis = [], []
    for _ in range(TOPK):
        m = jnp.max(vals, axis=1, keepdims=True)
        eq = vals == m
        sel = jnp.min(jnp.where(eq, kidx, BIGI), axis=1, keepdims=True)
        tvs.append(m)
        tis.append(sel)
        vals = jnp.where(kidx == sel, NEG, vals)
    tv = jnp.concatenate(tvs, axis=1)
    ti = jnp.concatenate(tis, axis=1)
    logits = tv / jnp.float32(0.1)
    mx = jnp.max(logits, axis=1, keepdims=True)
    e = jnp.exp(logits - mx)
    attn = e / jnp.sum(e, axis=1, keepdims=True)
    p = jnp.maximum(attn, 1e-8)
    h = -jnp.sum(p * jnp.log(p), axis=1, keepdims=True)
    hmax = jnp.log(jnp.float32(TOPK))
    conf = jnp.sum(1.0 - h / (hmax + 1e-8)) / bq
    zpad_i = jnp.zeros((bq, CH - TOPK), jnp.int32)
    zpad_f = jnp.zeros((bq, CH - TOPK), jnp.float32)
    idx_ref[...] = jnp.concatenate([ti, zpad_i], axis=1)
    attn_ref[...] = jnp.concatenate([attn, zpad_f], axis=1)
    conf_ref[...] = jnp.full((8, CH), conf, jnp.float32)


def _run_final(cands, chunk_pad):
    bq = cands.shape[0]
    ncand = TOPK * CH
    return pl.pallas_call(
        functools.partial(_final_body, bq, ncand),
        out_shape=[
            jax.ShapeDtypeStruct((bq, CH), jnp.int32),
            jax.ShapeDtypeStruct((bq, CH), jnp.float32),
            jax.ShapeDtypeStruct((8, CH), jnp.float32),
        ],
        compiler_params=pltpu.CompilerParams(
            vmem_limit_bytes=100 * 1024 * 1024),
    )(cands, chunk_pad)


def _combine_body(bq, dv, rows_ref, attn_ref, out_ref):
    rows = rows_ref[...]
    acc = attn_ref[:, 0:1] * rows[:, 0, :]
    for s in range(1, TOPK):
        acc = acc + attn_ref[:, s:s + 1] * rows[:, s, :]
    out_ref[...] = acc


def _run_combine(rows_t, attn_pad):
    bq, _, dv = rows_t.shape
    return pl.pallas_call(
        functools.partial(_combine_body, bq, dv),
        out_shape=jax.ShapeDtypeStruct((bq, dv), jnp.float32),
        compiler_params=pltpu.CompilerParams(
            vmem_limit_bytes=100 * 1024 * 1024),
    )(rows_t, attn_pad)


def _sc_gather(table, idx2d):
    v, d = table.shape
    b = idx2d.shape[0] * 128
    info = plsc.get_sparse_core_info()
    nc, ns = info.num_cores, info.num_subcores
    nw = nc * ns
    b_per_w = b // nw
    irows = b_per_w // 128
    mesh = plsc.VectorSubcoreMesh(core_axis_name="c", subcore_axis_name="s")

    @functools.partial(
        pl.kernel, mesh=mesh,
        out_type=jax.ShapeDtypeStruct((b, d), jnp.float32),
        scratch_types=[
            pltpu.VMEM((irows, 128), jnp.int32),
            pltpu.VMEM((b_per_w, d), jnp.float32),
            pltpu.SemaphoreType.DMA,
        ],
    )
    def k(table_hbm, idx_hbm, out_hbm, idx_v, rows_v, sem):
        wid = lax.axis_index("s") * nc + lax.axis_index("c")
        pltpu.sync_copy(idx_hbm.at[pl.ds(wid * irows, irows)], idx_v)
        copies = [
            pltpu.async_copy(table_hbm.at[idx_v.at[r]],
                             rows_v.at[pl.ds(r * 128, 128)], sem)
            for r in range(irows)
        ]
        for cp in copies:
            cp.wait()
        pltpu.sync_copy(rows_v, out_hbm.at[pl.ds(wid * b_per_w, b_per_w)])

    return k(table, idx2d)


def kernel(q, keys, values):
    bq, dk = q.shape
    n, dv = values.shape
    nchunk = n // CH

    qnrm = jnp.linalg.norm(q, axis=-1, keepdims=True)
    knrm = jnp.linalg.norm(keys, axis=-1, keepdims=True)
    sims3, cb3 = _run_k1(q, keys, qnrm, knrm)
    c = jnp.transpose(cb3, (1, 0, 2)).reshape(bq, nchunk)
    chunk_pad = _run_chunk_top8(c)
    chunk8 = chunk_pad[:, :TOPK]

    gidx = (chunk8 * bq
            + jnp.arange(bq, dtype=jnp.int32)[:, None]
            ).reshape(bq * TOPK // 128, 128)
    cands = _sc_gather(sims3.reshape(nchunk * bq, CH), gidx)
    cands = cands.reshape(bq, TOPK, CH)

    idx_pad, attn_pad, conf_tile = _run_final(cands, chunk_pad)
    top_idx = idx_pad[:, :TOPK]
    attn = attn_pad[:, :TOPK]

    rows = _sc_gather(values, top_idx.reshape(bq * TOPK // 128, 128))
    out = _run_combine(rows.reshape(bq, TOPK, dv), attn_pad)
    return (out, conf_tile[0, 0], top_idx, attn)

# --- scband reference (transcript-rebuilt; emitter-appended) ---
"""Pipeline reference for scband-memory-cube-65755949301985 (READ-ONLY COPY).

The authoritative reference and input builder live on the scoring server;
editing this copy changes nothing except your own understanding.
"""

import jax, jax.numpy as jnp
import numpy as np


def _l2_normalize(x, eps=1e-8):
    return x / (jnp.linalg.norm(x, axis=-1, keepdims=True) + eps)


def setup_inputs(seed: int = 0) -> dict:
    key = jax.random.key(seed)
    k1, k2, k3 = jax.random.split(key, 3)
    q = jax.random.normal(k1, (1024, 256), dtype=jnp.float32)
    keys = jax.random.normal(k2, (65536, 256), dtype=jnp.float32)
    values = jax.random.normal(k3, (65536, 256), dtype=jnp.float32)
    return {"q": q, "keys": keys, "values": values}


def reference(q, keys, values):
    # MemoryCube.query with spike_key=None, filled == capacity, topk=8, temperature=0.1
    topk = 8
    temperature = 0.1
    qn = _l2_normalize(q)
    kn = _l2_normalize(keys)
    sims = jnp.matmul(qn, kn.T)  # [B, N] cosine similarity
    top_vals, top_idx = jax.lax.top_k(sims, topk)  # [B, k]
    attn = jax.nn.softmax(top_vals / max(temperature, 1e-4), axis=-1)  # [B, k]
    vals = values[top_idx]  # gather: [B, k, Dv]
    out = jnp.einsum('bk,bkd->bd', attn, vals)  # [B, Dv]
    p = jnp.clip(attn, 1e-8)
    H = -(p * jnp.log(p)).sum(axis=-1)
    H_max = jnp.log(jnp.asarray(topk, dtype=p.dtype))
    conf = (1.0 - H / (H_max + 1e-8)).mean()
    return (out, conf, top_idx, attn)

if __name__ == "__main__":
    import jax
    _d = setup_inputs()
    print(jax.jit(kernel)(*tuple(_d.values())))

</pallas_src>

<mosaic_0001>
#map = affine_map<(d0, d1) -> (0, 0)>
module attributes {stable_mosaic.version = 14 : i64} {
  func.func @k(%arg0: i32, %arg1: i32, %arg2: memref<65536x256xf32, #tpu.memory_space<hbm>>, %arg3: memref<64x128xi32, #tpu.memory_space<hbm>>, %arg4: memref<8192x256xf32, #tpu.memory_space<hbm>>, %arg5: memref<2x128xi32, #tpu.memory_space<vmem>>, %arg6: memref<256x256xf32, #tpu.memory_space<vmem>>, %arg7: memref<!tpu.dma_semaphore, #tpu.memory_space<semaphore_mem>>) attributes {dimension_semantics = [#tpu.dimension_semantics<core_parallel>, #tpu.dimension_semantics<subcore_parallel>], iteration_bounds = array<i64: 2, 16>, scalar_prefetch = 0 : i64, scratch_operands = 3 : i64, tpu.core_type = #tpu.core_type<sc_vector_subcore>, window_params = [{transform_indices = #map}, {transform_indices = #map}, {transform_indices = #map}]} {
    %mul3A = arith.constant 2 : i32
    %mul3A_0 = arith.muli %arg1, %mul3A : i32
    %add3A = arith.addi %mul3A_0, %arg0 : i32
    %mul3A_1 = arith.constant 2 : i32
    %mul3A_2 = arith.muli %add3A, %mul3A_1 : i32
    "tpu.region"() ({
      %run_scoped3A = tpu.sem_alloc : memref<!tpu.dma_semaphore, #tpu.memory_space<semaphore_mem>>
      %dma_start3A_43 = arith.constant 0 : i32
      %dma_start3A_44 = tpu.memref_slice %arg3[%mul3A_2, %dma_start3A_43] : memref<64x128xi32, #tpu.memory_space<hbm>> -> memref<2x128xi32, #tpu.memory_space<hbm>>
      %dma_start3A_45 = arith.constant 0 : i32
      %dma_start3A_46 = tpu.memref_slice %arg3[%mul3A_2, %dma_start3A_45] : memref<64x128xi32, #tpu.memory_space<hbm>> -> memref<2x128xi32, #tpu.memory_space<hbm>>
      tpu.enqueue_dma source(%dma_start3A_46 : memref<2x128xi32, #tpu.memory_space<hbm>>) target(%arg5 : memref<2x128xi32, #tpu.memory_space<vmem>>) target_semaphore(%run_scoped3A : memref<!tpu.dma_semaphore, #tpu.memory_space<semaphore_mem>>)
      %dma_wait3A_47 = arith.constant 0 : i32
      %dma_wait3A_48 = tpu.memref_slice %arg3[%mul3A_2, %dma_wait3A_47] : memref<64x128xi32, #tpu.memory_space<hbm>> -> memref<2x128xi32, #tpu.memory_space<hbm>>
      %dma_wait3A_49 = arith.constant 0 : i32
      %dma_wait3A_50 = tpu.memref_slice %arg3[%mul3A_2, %dma_wait3A_49] : memref<64x128xi32, #tpu.memory_space<hbm>> -> memref<2x128xi32, #tpu.memory_space<hbm>>
      tpu.wait_dma2 semaphore(%run_scoped3A : memref<!tpu.dma_semaphore, #tpu.memory_space<semaphore_mem>>) src(%dma_wait3A_50 : memref<2x128xi32, #tpu.memory_space<hbm>>) dst(%arg5 : memref<2x128xi32, #tpu.memory_space<vmem>>)
      tpu.yield
    }) : () -> ()
    %dma_start3A = arith.constant 0 : i32
    %dma_start3A_3 = arith.constant 0 : i32
    %dma_start3A_4 = arith.constant 0 : i32
    %dma_start3A_5 = tpu.memref_slice %arg6[%dma_start3A_3, %dma_start3A_4] : memref<256x256xf32, #tpu.memory_space<vmem>> -> memref<128x256xf32, #tpu.memory_space<vmem>>
    %dma_start3A_6 = arith.constant 0 : i32
    %dma_start3A_7 = tpu.memref_slice %arg5[%dma_start3A, %dma_start3A_6] : memref<2x128xi32, #tpu.memory_space<vmem>> -> memref<1x128xi32, #tpu.memory_space<vmem>>
    %dma_start3A_8 = tpu.memref_squeeze %dma_start3A_7 : memref<1x128xi32, #tpu.memory_space<vmem>> -> memref<128xi32, #tpu.memory_space<vmem>>
    %dma_start3A_9 = arith.constant 0 : i32
    %dma_start3A_10 = arith.constant 0 : i32
    %dma_start3A_11 = tpu.memref_slice %arg2[%dma_start3A_9, %dma_start3A_10] : memref<65536x256xf32, #tpu.memory_space<hbm>> -> memref<65536x256xf32, #tpu.memory_space<hbm>>
    tpu.enqueue_indirect_dma source(%dma_start3A_11 : memref<65536x256xf32, #tpu.memory_space<hbm>>) target(%dma_start3A_5 : memref<128x256xf32, #tpu.memory_space<vmem>>) offsets(%dma_start3A_8 : memref<128xi32, #tpu.memory_space<vmem>>) semaphore(%arg7 : memref<!tpu.dma_semaphore, #tpu.memory_space<semaphore_mem>>)
    %dma_start3A_12 = arith.constant 1 : i32
    %dma_start3A_13 = arith.constant 128 : i32
    %dma_start3A_14 = arith.constant 0 : i32
    %dma_start3A_15 = tpu.memref_slice %arg6[%dma_start3A_13, %dma_start3A_14] : memref<256x256xf32, #tpu.memory_space<vmem>> -> memref<128x256xf32, #tpu.memory_space<vmem>>
    %dma_start3A_16 = arith.constant 0 : i32
    %dma_start3A_17 = tpu.memref_slice %arg5[%dma_start3A_12, %dma_start3A_16] : memref<2x128xi32, #tpu.memory_space<vmem>> -> memref<1x128xi32, #tpu.memory_space<vmem>>
    %dma_start3A_18 = tpu.memref_squeeze %dma_start3A_17 : memref<1x128xi32, #tpu.memory_space<vmem>> -> memref<128xi32, #tpu.memory_space<vmem>>
    %dma_start3A_19 = arith.constant 0 : i32
    %dma_start3A_20 = arith.constant 0 : i32
    %dma_start3A_21 = tpu.memref_slice %arg2[%dma_start3A_19, %dma_start3A_20] : memref<65536x256xf32, #tpu.memory_space<hbm>> -> memref<65536x256xf32, #tpu.memory_space<hbm>>
    tpu.enqueue_indirect_dma source(%dma_start3A_21 : memref<65536x256xf32, #tpu.memory_space<hbm>>) target(%dma_start3A_15 : memref<128x256xf32, #tpu.memory_space<vmem>>) offsets(%dma_start3A_18 : memref<128xi32, #tpu.memory_space<vmem>>) semaphore(%arg7 : memref<!tpu.dma_semaphore, #tpu.memory_space<semaphore_mem>>)
    %dma_wait3A = arith.constant 0 : i32
    %dma_wait3A_22 = arith.constant 0 : i32
    %dma_wait3A_23 = arith.constant 0 : i32
    %dma_wait3A_24 = tpu.memref_slice %arg6[%dma_wait3A_22, %dma_wait3A_23] : memref<256x256xf32, #tpu.memory_space<vmem>> -> memref<128x256xf32, #tpu.memory_space<vmem>>
    %dma_wait3A_25 = arith.constant 0 : i32
    %dma_wait3A_26 = tpu.memref_slice %arg5[%dma_wait3A, %dma_wait3A_25] : memref<2x128xi32, #tpu.memory_space<vmem>> -> memref<1x128xi32, #tpu.memory_space<vmem>>
    %dma_wait3A_27 = tpu.memref_squeeze %dma_wait3A_26 : memref<1x128xi32, #tpu.memory_space<vmem>> -> memref<128xi32, #tpu.memory_space<vmem>>
    %dma_wait3A_28 = arith.constant 0 : i32
    %dma_wait3A_29 = arith.constant 0 : i32
    %dma_wait3A_30 = tpu.memref_slice %arg2[%dma_wait3A_28, %dma_wait3A_29] : memref<65536x256xf32, #tpu.memory_space<hbm>> -> memref<65536x256xf32, #tpu.memory_space<hbm>>
    tpu.wait_indirect_dma semaphore(%arg7 : memref<!tpu.dma_semaphore, #tpu.memory_space<semaphore_mem>>) src(%dma_wait3A_30 : memref<65536x256xf32, #tpu.memory_space<hbm>>) dst(%dma_wait3A_24 : memref<128x256xf32, #tpu.memory_space<vmem>>)
    %dma_wait3A_31 = arith.constant 1 : i32
    %dma_wait3A_32 = arith.constant 128 : i32
    %dma_wait3A_33 = arith.constant 0 : i32
    %dma_wait3A_34 = tpu.memref_slice %arg6[%dma_wait3A_32, %dma_wait3A_33] : memref<256x256xf32, #tpu.memory_space<vmem>> -> memref<128x256xf32, #tpu.memory_space<vmem>>
    %dma_wait3A_35 = arith.constant 0 : i32
    %dma_wait3A_36 = tpu.memref_slice %arg5[%dma_wait3A_31, %dma_wait3A_35] : memref<2x128xi32, #tpu.memory_space<vmem>> -> memref<1x128xi32, #tpu.memory_space<vmem>>
    %dma_wait3A_37 = tpu.memref_squeeze %dma_wait3A_36 : memref<1x128xi32, #tpu.memory_space<vmem>> -> memref<128xi32, #tpu.memory_space<vmem>>
    %dma_wait3A_38 = arith.constant 0 : i32
    %dma_wait3A_39 = arith.constant 0 : i32
    %dma_wait3A_40 = tpu.memref_slice %arg2[%dma_wait3A_38, %dma_wait3A_39] : memref<65536x256xf32, #tpu.memory_space<hbm>> -> memref<65536x256xf32, #tpu.memory_space<hbm>>
    tpu.wait_indirect_dma semaphore(%arg7 : memref<!tpu.dma_semaphore, #tpu.memory_space<semaphore_mem>>) src(%dma_wait3A_40 : memref<65536x256xf32, #tpu.memory_space<hbm>>) dst(%dma_wait3A_34 : memref<128x256xf32, #tpu.memory_space<vmem>>)
    %mul3A_41 = arith.constant 256 : i32
    %mul3A_42 = arith.muli %add3A, %mul3A_41 : i32
    "tpu.region"() ({
      %run_scoped3A = tpu.sem_alloc : memref<!tpu.dma_semaphore, #tpu.memory_space<semaphore_mem>>
      %dma_start3A_43 = arith.constant 0 : i32
      %dma_start3A_44 = tpu.memref_slice %arg4[%mul3A_42, %dma_start3A_43] : memref<8192x256xf32, #tpu.memory_space<hbm>> -> memref<256x256xf32, #tpu.memory_space<hbm>>
      %dma_start3A_45 = arith.constant 0 : i32
      %dma_start3A_46 = tpu.memref_slice %arg4[%mul3A_42, %dma_start3A_45] : memref<8192x256xf32, #tpu.memory_space<hbm>> -> memref<256x256xf32, #tpu.memory_space<hbm>>
      tpu.enqueue_dma source(%arg6 : memref<256x256xf32, #tpu.memory_space<vmem>>) target(%dma_start3A_46 : memref<256x256xf32, #tpu.memory_space<hbm>>) target_semaphore(%run_scoped3A : memref<!tpu.dma_semaphore, #tpu.memory_space<semaphore_mem>>)
      %dma_wait3A_47 = arith.constant 0 : i32
      %dma_wait3A_48 = tpu.memref_slice %arg4[%mul3A_42, %dma_wait3A_47] : memref<8192x256xf32, #tpu.memory_space<hbm>> -> memref<256x256xf32, #tpu.memory_space<hbm>>
      %dma_wait3A_49 = arith.constant 0 : i32
      %dma_wait3A_50 = tpu.memref_slice %arg4[%mul3A_42, %dma_wait3A_49] : memref<8192x256xf32, #tpu.memory_space<hbm>> -> memref<256x256xf32, #tpu.memory_space<hbm>>
      tpu.wait_dma2 semaphore(%run_scoped3A : memref<!tpu.dma_semaphore, #tpu.memory_space<semaphore_mem>>) src(%arg6 : memref<256x256xf32, #tpu.memory_space<vmem>>) dst(%dma_wait3A_50 : memref<256x256xf32, #tpu.memory_space<hbm>>)
      tpu.yield
    }) : () -> ()
    return
  }
}

#map = affine_map<(d0, d1) -> (0, 0)>
module attributes {stable_mosaic.version = 14 : i64} {
  func.func @k(%arg0: i32, %arg1: i32, %arg2: memref<524288x128xf32, #tpu.memory_space<hbm>>, %arg3: memref<64x128xi32, #tpu.memory_space<hbm>>, %arg4: memref<8192x128xf32, #tpu.memory_space<hbm>>, %arg5: memref<2x128xi32, #tpu.memory_space<vmem>>, %arg6: memref<256x128xf32, #tpu.memory_space<vmem>>, %arg7: memref<!tpu.dma_semaphore, #tpu.memory_space<semaphore_mem>>) attributes {dimension_semantics = [#tpu.dimension_semantics<core_parallel>, #tpu.dimension_semantics<subcore_parallel>], iteration_bounds = array<i64: 2, 16>, scalar_prefetch = 0 : i64, scratch_operands = 3 : i64, tpu.core_type = #tpu.core_type<sc_vector_subcore>, window_params = [{transform_indices = #map}, {transform_indices = #map}, {transform_indices = #map}]} {
    %mul3A = arith.constant 2 : i32
    %mul3A_0 = arith.muli %arg1, %mul3A : i32
    %add3A = arith.addi %mul3A_0, %arg0 : i32
    %mul3A_1 = arith.constant 2 : i32
    %mul3A_2 = arith.muli %add3A, %mul3A_1 : i32
    "tpu.region"() ({
      %run_scoped3A = tpu.sem_alloc : memref<!tpu.dma_semaphore, #tpu.memory_space<semaphore_mem>>
      %dma_start3A_43 = arith.constant 0 : i32
      %dma_start3A_44 = tpu.memref_slice %arg3[%mul3A_2, %dma_start3A_43] : memref<64x128xi32, #tpu.memory_space<hbm>> -> memref<2x128xi32, #tpu.memory_space<hbm>>
      %dma_start3A_45 = arith.constant 0 : i32
      %dma_start3A_46 = tpu.memref_slice %arg3[%mul3A_2, %dma_start3A_45] : memref<64x128xi32, #tpu.memory_space<hbm>> -> memref<2x128xi32, #tpu.memory_space<hbm>>
      tpu.enqueue_dma source(%dma_start3A_46 : memref<2x128xi32, #tpu.memory_space<hbm>>) target(%arg5 : memref<2x128xi32, #tpu.memory_space<vmem>>) target_semaphore(%run_scoped3A : memref<!tpu.dma_semaphore, #tpu.memory_space<semaphore_mem>>)
      %dma_wait3A_47 = arith.constant 0 : i32
      %dma_wait3A_48 = tpu.memref_slice %arg3[%mul3A_2, %dma_wait3A_47] : memref<64x128xi32, #tpu.memory_space<hbm>> -> memref<2x128xi32, #tpu.memory_space<hbm>>
      %dma_wait3A_49 = arith.constant 0 : i32
      %dma_wait3A_50 = tpu.memref_slice %arg3[%mul3A_2, %dma_wait3A_49] : memref<64x128xi32, #tpu.memory_space<hbm>> -> memref<2x128xi32, #tpu.memory_space<hbm>>
      tpu.wait_dma2 semaphore(%run_scoped3A : memref<!tpu.dma_semaphore, #tpu.memory_space<semaphore_mem>>) src(%dma_wait3A_50 : memref<2x128xi32, #tpu.memory_space<hbm>>) dst(%arg5 : memref<2x128xi32, #tpu.memory_space<vmem>>)
      tpu.yield
    }) : () -> ()
    %dma_start3A = arith.constant 0 : i32
    %dma_start3A_3 = arith.constant 0 : i32
    %dma_start3A_4 = arith.constant 0 : i32
    %dma_start3A_5 = tpu.memref_slice %arg6[%dma_start3A_3, %dma_start3A_4] : memref<256x128xf32, #tpu.memory_space<vmem>> -> memref<128x128xf32, #tpu.memory_space<vmem>>
    %dma_start3A_6 = arith.constant 0 : i32
    %dma_start3A_7 = tpu.memref_slice %arg5[%dma_start3A, %dma_start3A_6] : memref<2x128xi32, #tpu.memory_space<vmem>> -> memref<1x128xi32, #tpu.memory_space<vmem>>
    %dma_start3A_8 = tpu.memref_squeeze %dma_start3A_7 : memref<1x128xi32, #tpu.memory_space<vmem>> -> memref<128xi32, #tpu.memory_space<vmem>>
    %dma_start3A_9 = arith.constant 0 : i32
    %dma_start3A_10 = arith.constant 0 : i32
    %dma_start3A_11 = tpu.memref_slice %arg2[%dma_start3A_9, %dma_start3A_10] : memref<524288x128xf32, #tpu.memory_space<hbm>> -> memref<524288x128xf32, #tpu.memory_space<hbm>>
    tpu.enqueue_indirect_dma source(%dma_start3A_11 : memref<524288x128xf32, #tpu.memory_space<hbm>>) target(%dma_start3A_5 : memref<128x128xf32, #tpu.memory_space<vmem>>) offsets(%dma_start3A_8 : memref<128xi32, #tpu.memory_space<vmem>>) semaphore(%arg7 : memref<!tpu.dma_semaphore, #tpu.memory_space<semaphore_mem>>)
    %dma_start3A_12 = arith.constant 1 : i32
    %dma_start3A_13 = arith.constant 128 : i32
    %dma_start3A_14 = arith.constant 0 : i32
    %dma_start3A_15 = tpu.memref_slice %arg6[%dma_start3A_13, %dma_start3A_14] : memref<256x128xf32, #tpu.memory_space<vmem>> -> memref<128x128xf32, #tpu.memory_space<vmem>>
    %dma_start3A_16 = arith.constant 0 : i32
    %dma_start3A_17 = tpu.memref_slice %arg5[%dma_start3A_12, %dma_start3A_16] : memref<2x128xi32, #tpu.memory_space<vmem>> -> memref<1x128xi32, #tpu.memory_space<vmem>>
    %dma_start3A_18 = tpu.memref_squeeze %dma_start3A_17 : memref<1x128xi32, #tpu.memory_space<vmem>> -> memref<128xi32, #tpu.memory_space<vmem>>
    %dma_start3A_19 = arith.constant 0 : i32
    %dma_start3A_20 = arith.constant 0 : i32
    %dma_start3A_21 = tpu.memref_slice %arg2[%dma_start3A_19, %dma_start3A_20] : memref<524288x128xf32, #tpu.memory_space<hbm>> -> memref<524288x128xf32, #tpu.memory_space<hbm>>
    tpu.enqueue_indirect_dma source(%dma_start3A_21 : memref<524288x128xf32, #tpu.memory_space<hbm>>) target(%dma_start3A_15 : memref<128x128xf32, #tpu.memory_space<vmem>>) offsets(%dma_start3A_18 : memref<128xi32, #tpu.memory_space<vmem>>) semaphore(%arg7 : memref<!tpu.dma_semaphore, #tpu.memory_space<semaphore_mem>>)
    %dma_wait3A = arith.constant 0 : i32
    %dma_wait3A_22 = arith.constant 0 : i32
    %dma_wait3A_23 = arith.constant 0 : i32
    %dma_wait3A_24 = tpu.memref_slice %arg6[%dma_wait3A_22, %dma_wait3A_23] : memref<256x128xf32, #tpu.memory_space<vmem>> -> memref<128x128xf32, #tpu.memory_space<vmem>>
    %dma_wait3A_25 = arith.constant 0 : i32
    %dma_wait3A_26 = tpu.memref_slice %arg5[%dma_wait3A, %dma_wait3A_25] : memref<2x128xi32, #tpu.memory_space<vmem>> -> memref<1x128xi32, #tpu.memory_space<vmem>>
    %dma_wait3A_27 = tpu.memref_squeeze %dma_wait3A_26 : memref<1x128xi32, #tpu.memory_space<vmem>> -> memref<128xi32, #tpu.memory_space<vmem>>
    %dma_wait3A_28 = arith.constant 0 : i32
    %dma_wait3A_29 = arith.constant 0 : i32
    %dma_wait3A_30 = tpu.memref_slice %arg2[%dma_wait3A_28, %dma_wait3A_29] : memref<524288x128xf32, #tpu.memory_space<hbm>> -> memref<524288x128xf32, #tpu.memory_space<hbm>>
    tpu.wait_indirect_dma semaphore(%arg7 : memref<!tpu.dma_semaphore, #tpu.memory_space<semaphore_mem>>) src(%dma_wait3A_30 : memref<524288x128xf32, #tpu.memory_space<hbm>>) dst(%dma_wait3A_24 : memref<128x128xf32, #tpu.memory_space<vmem>>)
    %dma_wait3A_31 = arith.constant 1 : i32
    %dma_wait3A_32 = arith.constant 128 : i32
    %dma_wait3A_33 = arith.constant 0 : i32
    %dma_wait3A_34 = tpu.memref_slice %arg6[%dma_wait3A_32, %dma_wait3A_33] : memref<256x128xf32, #tpu.memory_space<vmem>> -> memref<128x128xf32, #tpu.memory_space<vmem>>
    %dma_wait3A_35 = arith.constant 0 : i32
    %dma_wait3A_36 = tpu.memref_slice %arg5[%dma_wait3A_31, %dma_wait3A_35] : memref<2x128xi32, #tpu.memory_space<vmem>> -> memref<1x128xi32, #tpu.memory_space<vmem>>
    %dma_wait3A_37 = tpu.memref_squeeze %dma_wait3A_36 : memref<1x128xi32, #tpu.memory_space<vmem>> -> memref<128xi32, #tpu.memory_space<vmem>>
    %dma_wait3A_38 = arith.constant 0 : i32
    %dma_wait3A_39 = arith.constant 0 : i32
    %dma_wait3A_40 = tpu.memref_slice %arg2[%dma_wait3A_38, %dma_wait3A_39] : memref<524288x128xf32, #tpu.memory_space<hbm>> -> memref<524288x128xf32, #tpu.memory_space<hbm>>
    tpu.wait_indirect_dma semaphore(%arg7 : memref<!tpu.dma_semaphore, #tpu.memory_space<semaphore_mem>>) src(%dma_wait3A_40 : memref<524288x128xf32, #tpu.memory_space<hbm>>) dst(%dma_wait3A_34 : memref<128x128xf32, #tpu.memory_space<vmem>>)
    %mul3A_41 = arith.constant 256 : i32
    %mul3A_42 = arith.muli %add3A, %mul3A_41 : i32
    "tpu.region"() ({
      %run_scoped3A = tpu.sem_alloc : memref<!tpu.dma_semaphore, #tpu.memory_space<semaphore_mem>>
      %dma_start3A_43 = arith.constant 0 : i32
      %dma_start3A_44 = tpu.memref_slice %arg4[%mul3A_42, %dma_start3A_43] : memref<8192x128xf32, #tpu.memory_space<hbm>> -> memref<256x128xf32, #tpu.memory_space<hbm>>
      %dma_start3A_45 = arith.constant 0 : i32
      %dma_start3A_46 = tpu.memref_slice %arg4[%mul3A_42, %dma_start3A_45] : memref<8192x128xf32, #tpu.memory_space<hbm>> -> memref<256x128xf32, #tpu.memory_space<hbm>>
      tpu.enqueue_dma source(%arg6 : memref<256x128xf32, #tpu.memory_space<vmem>>) target(%dma_start3A_46 : memref<256x128xf32, #tpu.memory_space<hbm>>) target_semaphore(%run_scoped3A : memref<!tpu.dma_semaphore, #tpu.memory_space<semaphore_mem>>)
      %dma_wait3A_47 = arith.constant 0 : i32
      %dma_wait3A_48 = tpu.memref_slice %arg4[%mul3A_42, %dma_wait3A_47] : memref<8192x128xf32, #tpu.memory_space<hbm>> -> memref<256x128xf32, #tpu.memory_space<hbm>>
      %dma_wait3A_49 = arith.constant 0 : i32
      %dma_wait3A_50 = tpu.memref_slice %arg4[%mul3A_42, %dma_wait3A_49] : memref<8192x128xf32, #tpu.memory_space<hbm>> -> memref<256x128xf32, #tpu.memory_space<hbm>>
      tpu.wait_dma2 semaphore(%run_scoped3A : memref<!tpu.dma_semaphore, #tpu.memory_space<semaphore_mem>>) src(%arg6 : memref<256x128xf32, #tpu.memory_space<vmem>>) dst(%dma_wait3A_50 : memref<256x128xf32, #tpu.memory_space<hbm>>)
      tpu.yield
    }) : () -> ()
    return
  }
}

module attributes {stable_mosaic.version = 14 : i64} {
  func.func @_k1_body(%arg0: i32, %arg1: memref<1024x256xf32, #tpu.memory_space<vmem>>, %arg2: memref<2048x256xf32, #tpu.memory_space<vmem>>, %arg3: memref<1024x1xf32, #tpu.memory_space<vmem>>, %arg4: memref<2048x1xf32, #tpu.memory_space<vmem>>, %arg5: memref<16x1024x128xf32, #tpu.memory_space<vmem>>, %arg6: memref<1x1024x16xf32, #tpu.memory_space<vmem>>, %arg7: memref<1024x256xf32, #tpu.memory_space<vmem>>) attributes {dimension_semantics = [#tpu.dimension_semantics<arbitrary>], iteration_bounds = array<i64: 32>, scalar_prefetch = 0 : i64, scratch_operands = 1 : i64, tpu.core_type = #tpu.core_type<tc>, window_params = [{pipeline_mode = #tpu.pipeline_mode<synchronous>, transform_indices = @transform_0, window_bounds = array<i64: 1024, 256>}, {transform_indices = @transform_1, window_bounds = array<i64: 2048, 256>}, {pipeline_mode = #tpu.pipeline_mode<synchronous>, transform_indices = @transform_2, window_bounds = array<i64: 1024, 1>}, {transform_indices = @transform_3, window_bounds = array<i64: 2048, 1>}, {transform_indices = @transform_4, window_bounds = array<i64: 16, 1024, 128>}, {transform_indices = @transform_5, window_bounds = array<i64: 1, 1024, 16>}]} {
    %eq3A = arith.constant 0 : i32
    %eq3A_0 = arith.cmpi eq, %arg0, %eq3A : i32
    %convert_element_type3A = arith.extui %eq3A_0 : i1 to i32
    %cond3A = arith.constant 0 : i32
    %cond3A_1 = arith.cmpi ne, %convert_element_type3A, %cond3A : i32
    scf.if %cond3A_1 {
      %get3A_177 = arith.constant 0 : index
      %get3A_178 = arith.constant 0 : index
      %get3A_179 = vector.load %arg1[%get3A_177, %get3A_178] : memref<1024x256xf32, #tpu.memory_space<vmem>>, vector<1024x256xf32>
      %get3A_180 = arith.constant 0 : index
      %get3A_181 = arith.constant 0 : index
      %get3A_182 = vector.load %arg3[%get3A_180, %get3A_181] : memref<1024x1xf32, #tpu.memory_space<vmem>>, vector<1024x1xf32>
      %add3A_183 = arith.constant 9.99999993E-9 : f32
      %add3A_184 = vector.broadcast %add3A_183 : f32 to vector<1024x1xf32>
      %add3A_185 = arith.addf %get3A_182, %add3A_184 : vector<1024x1xf32>
      %div3A_186 = vector.broadcast %add3A_185 : vector<1024x1xf32> to vector<1024x256xf32>
      %div3A_187 = arith.divf %get3A_179, %div3A_186 : vector<1024x256xf32>
      %swap3A_188 = arith.constant 0 : index
      %swap3A_189 = arith.constant 0 : index
      %swap3A_190 = vector.load %arg7[%swap3A_188, %swap3A_189] : memref<1024x256xf32, #tpu.memory_space<vmem>>, vector<1024x256xf32>
      tpu.vector_store %arg7[%swap3A_188, %swap3A_189], %div3A_187 {strides = array<i32>} : memref<1024x256xf32, #tpu.memory_space<vmem>>, vector<1024x256xf32>,
    } else {
    }
    %get3A = arith.constant 0 : index
    %get3A_2 = arith.constant 0 : index
    %get3A_3 = vector.load %arg2[%get3A, %get3A_2] : memref<2048x256xf32, #tpu.memory_space<vmem>>, vector<2048x256xf32>
    %get3A_4 = arith.constant 0 : index
    %get3A_5 = arith.constant 0 : index
    %get3A_6 = vector.load %arg4[%get3A_4, %get3A_5] : memref<2048x1xf32, #tpu.memory_space<vmem>>, vector<2048x1xf32>
    %add3A = arith.constant 9.99999993E-9 : f32
    %add3A_7 = vector.broadcast %add3A : f32 to vector<2048x1xf32>
    %add3A_8 = arith.addf %get3A_6, %add3A_7 : vector<2048x1xf32>
    %div3A = vector.broadcast %add3A_8 : vector<2048x1xf32> to vector<2048x256xf32>
    %div3A_9 = arith.divf %get3A_3, %div3A : vector<2048x256xf32>
    %get3A_10 = arith.constant 0 : index
    %get3A_11 = arith.constant 0 : index
    %get3A_12 = vector.load %arg7[%get3A_10, %get3A_11] : memref<1024x256xf32, #tpu.memory_space<vmem>>, vector<1024x256xf32>
    %convert_element_type3A_13 = arith.truncf %get3A_12 : vector<1024x256xf32> to vector<1024x256xbf16>
    %convert_element_type3A_14 = arith.truncf %div3A_9 : vector<2048x256xf32> to vector<2048x256xbf16>
    %dot_general3A = arith.constant dense<0.000000e+00> : vector<1024x2048xf32>
    %dot_general3A_15 = tpu.matmul %convert_element_type3A_13, %convert_element_type3A_14, %dot_general3A {dimension_numbers = #tpu.dot_dimension_numbers<[1], [1], [0], [0], [0, 0, 1, 0], [], []>, transpose_lhs_hint = false} : vector<1024x256xbf16>, vector<2048x256xbf16>, vector<1024x2048xf32> -> vector<1024x2048xf32>
    %slice3A = vector.extract_strided_slice %dot_general3A_15 {offsets = [0, 0], sizes = [1024, 128], strides = [1, 1]} : vector<1024x2048xf32> to vector<1024x128xf32>
    %swap3A = arith.constant 0 : index
    %swap3A_16 = arith.constant 0 : index
    %swap3A_17 = arith.constant 0 : index
    %swap3A_18 = vector.load %arg5[%swap3A, %swap3A_16, %swap3A_17] : memref<16x1024x128xf32, #tpu.memory_space<vmem>>, vector<1x1024x128xf32>
    %swap3A_19 = vector.shape_cast %swap3A_18 : vector<1x1024x128xf32> to vector<1024x128xf32>
    %swap3A_20 = vector.shape_cast %slice3A : vector<1024x128xf32> to vector<1x1024x128xf32>
    tpu.vector_store %arg5[%swap3A, %swap3A_16, %swap3A_17], %swap3A_20 {strides = array<i32>} : memref<16x1024x128xf32, #tpu.memory_space<vmem>>, vector<1x1024x128xf32>,
    %reduce_max3A = arith.constant dense<0xFF800000> : vector<1024xf32>
    %reduce_max3A_21 = vector.multi_reduction <maximumf>, %slice3A, %reduce_max3A [1] : vector<1024x128xf32> to vector<1024xf32>
    %broadcast_in_dim3A = vector.shape_cast %reduce_max3A_21 : vector<1024xf32> to vector<1024x1xf32>
    %slice3A_22 = vector.extract_strided_slice %dot_general3A_15 {offsets = [0, 128], sizes = [1024, 128], strides = [1, 1]} : vector<1024x2048xf32> to vector<1024x128xf32>
    %swap3A_23 = arith.constant 1 : index
    %swap3A_24 = arith.constant 0 : index
    %swap3A_25 = arith.constant 0 : index
    %swap3A_26 = vector.load %arg5[%swap3A_23, %swap3A_24, %swap3A_25] : memref<16x1024x128xf32, #tpu.memory_space<vmem>>, vector<1x1024x128xf32>
    %swap3A_27 = vector.shape_cast %swap3A_26 : vector<1x1024x128xf32> to vector<1024x128xf32>
    %swap3A_28 = vector.shape_cast %slice3A_22 : vector<1024x128xf32> to vector<1x1024x128xf32>
    tpu.vector_store %arg5[%swap3A_23, %swap3A_24, %swap3A_25], %swap3A_28 {strides = array<i32>} : memref<16x1024x128xf32, #tpu.memory_space<vmem>>, vector<1x1024x128xf32>,
    %reduce_max3A_29 = arith.constant dense<0xFF800000> : vector<1024xf32>
    %reduce_max3A_30 = vector.multi_reduction <maximumf>, %slice3A_22, %reduce_max3A_29 [1] : vector<1024x128xf32> to vector<1024xf32>
    %broadcast_in_dim3A_31 = vector.shape_cast %reduce_max3A_30 : vector<1024xf32> to vector<1024x1xf32>
    %slice3A_32 = vector.extract_strided_slice %dot_general3A_15 {offsets = [0, 256], sizes = [1024, 128], strides = [1, 1]} : vector<1024x2048xf32> to vector<1024x128xf32>
    %swap3A_33 = arith.constant 2 : index
    %swap3A_34 = arith.constant 0 : index
    %swap3A_35 = arith.constant 0 : index
    %swap3A_36 = vector.load %arg5[%swap3A_33, %swap3A_34, %swap3A_35] : memref<16x1024x128xf32, #tpu.memory_space<vmem>>, vector<1x1024x128xf32>
    %swap3A_37 = vector.shape_cast %swap3A_36 : vector<1x1024x128xf32> to vector<1024x128xf32>
    %swap3A_38 = vector.shape_cast %slice3A_32 : vector<1024x128xf32> to vector<1x1024x128xf32>
    tpu.vector_store %arg5[%swap3A_33, %swap3A_34, %swap3A_35], %swap3A_38 {strides = array<i32>} : memref<16x1024x128xf32, #tpu.memory_space<vmem>>, vector<1x1024x128xf32>,
    %reduce_max3A_39 = arith.constant dense<0xFF800000> : vector<1024xf32>
    %reduce_max3A_40 = vector.multi_reduction <maximumf>, %slice3A_32, %reduce_max3A_39 [1] : vector<1024x128xf32> to vector<1024xf32>
    %broadcast_in_dim3A_41 = vector.shape_cast %reduce_max3A_40 : vector<1024xf32> to vector<1024x1xf32>
    %slice3A_42 = vector.extract_strided_slice %dot_general3A_15 {offsets = [0, 384], sizes = [1024, 128], strides = [1, 1]} : vector<1024x2048xf32> to vector<1024x128xf32>
    %swap3A_43 = arith.constant 3 : index
    %swap3A_44 = arith.constant 0 : index
    %swap3A_45 = arith.constant 0 : index
    %swap3A_46 = vector.load %arg5[%swap3A_43, %swap3A_44, %swap3A_45] : memref<16x1024x128xf32, #tpu.memory_space<vmem>>, vector<1x1024x128xf32>
    %swap3A_47 = vector.shape_cast %swap3A_46 : vector<1x1024x128xf32> to vector<1024x128xf32>
    %swap3A_48 = vector.shape_cast %slice3A_42 : vector<1024x128xf32> to vector<1x1024x128xf32>
    tpu.vector_store %arg5[%swap3A_43, %swap3A_44, %swap3A_45], %swap3A_48 {strides = array<i32>} : memref<16x1024x128xf32, #tpu.memory_space<vmem>>, vector<1x1024x128xf32>,
    %reduce_max3A_49 = arith.constant dense<0xFF800000> : vector<1024xf32>
    %reduce_max3A_50 = vector.multi_reduction <maximumf>, %slice3A_42, %reduce_max3A_49 [1] : vector<1024x128xf32> to vector<1024xf32>
    %broadcast_in_dim3A_51 = vector.shape_cast %reduce_max3A_50 : vector<1024xf32> to vector<1024x1xf32>
    %slice3A_52 = vector.extract_strided_slice %dot_general3A_15 {offsets = [0, 512], sizes = [1024, 128], strides = [1, 1]} : vector<1024x2048xf32> to vector<1024x128xf32>
    %swap3A_53 = arith.constant 4 : index
    %swap3A_54 = arith.constant 0 : index
    %swap3A_55 = arith.constant 0 : index
    %swap3A_56 = vector.load %arg5[%swap3A_53, %swap3A_54, %swap3A_55] : memref<16x1024x128xf32, #tpu.memory_space<vmem>>, vector<1x1024x128xf32>
    %swap3A_57 = vector.shape_cast %swap3A_56 : vector<1x1024x128xf32> to vector<1024x128xf32>
    %swap3A_58 = vector.shape_cast %slice3A_52 : vector<1024x128xf32> to vector<1x1024x128xf32>
    tpu.vector_store %arg5[%swap3A_53, %swap3A_54, %swap3A_55], %swap3A_58 {strides = array<i32>} : memref<16x1024x128xf32, #tpu.memory_space<vmem>>, vector<1x1024x128xf32>,
    %reduce_max3A_59 = arith.constant dense<0xFF800000> : vector<1024xf32>
    %reduce_max3A_60 = vector.multi_reduction <maximumf>, %slice3A_52, %reduce_max3A_59 [1] : vector<1024x128xf32> to vector<1024xf32>
    %broadcast_in_dim3A_61 = vector.shape_cast %reduce_max3A_60 : vector<1024xf32> to vector<1024x1xf32>
    %slice3A_62 = vector.extract_strided_slice %dot_general3A_15 {offsets = [0, 640], sizes = [1024, 128], strides = [1, 1]} : vector<1024x2048xf32> to vector<1024x128xf32>
    %swap3A_63 = arith.constant 5 : index
    %swap3A_64 = arith.constant 0 : index
    %swap3A_65 = arith.constant 0 : index
    %swap3A_66 = vector.load %arg5[%swap3A_63, %swap3A_64, %swap3A_65] : memref<16x1024x128xf32, #tpu.memory_space<vmem>>, vector<1x1024x128xf32>
    %swap3A_67 = vector.shape_cast %swap3A_66 : vector<1x1024x128xf32> to vector<1024x128xf32>
    %swap3A_68 = vector.shape_cast %slice3A_62 : vector<1024x128xf32> to vector<1x1024x128xf32>
    tpu.vector_store %arg5[%swap3A_63, %swap3A_64, %swap3A_65], %swap3A_68 {strides = array<i32>} : memref<16x1024x128xf32, #tpu.memory_space<vmem>>, vector<1x1024x128xf32>,
    %reduce_max3A_69 = arith.constant dense<0xFF800000> : vector<1024xf32>
    %reduce_max3A_70 = vector.multi_reduction <maximumf>, %slice3A_62, %reduce_max3A_69 [1] : vector<1024x128xf32> to vector<1024xf32>
    %broadcast_in_dim3A_71 = vector.shape_cast %reduce_max3A_70 : vector<1024xf32> to vector<1024x1xf32>
    %slice3A_72 = vector.extract_strided_slice %dot_general3A_15 {offsets = [0, 768], sizes = [1024, 128], strides = [1, 1]} : vector<1024x2048xf32> to vector<1024x128xf32>
    %swap3A_73 = arith.constant 6 : index
    %swap3A_74 = arith.constant 0 : index
    %swap3A_75 = arith.constant 0 : index
    %swap3A_76 = vector.load %arg5[%swap3A_73, %swap3A_74, %swap3A_75] : memref<16x1024x128xf32, #tpu.memory_space<vmem>>, vector<1x1024x128xf32>
    %swap3A_77 = vector.shape_cast %swap3A_76 : vector<1x1024x128xf32> to vector<1024x128xf32>
    %swap3A_78 = vector.shape_cast %slice3A_72 : vector<1024x128xf32> to vector<1x1024x128xf32>
    tpu.vector_store %arg5[%swap3A_73, %swap3A_74, %swap3A_75], %swap3A_78 {strides = array<i32>} : memref<16x1024x128xf32, #tpu.memory_space<vmem>>, vector<1x1024x128xf32>,
    %reduce_max3A_79 = arith.constant dense<0xFF800000> : vector<1024xf32>
    %reduce_max3A_80 = vector.multi_reduction <maximumf>, %slice3A_72, %reduce_max3A_79 [1] : vector<1024x128xf32> to vector<1024xf32>
    %broadcast_in_dim3A_81 = vector.shape_cast %reduce_max3A_80 : vector<1024xf32> to vector<1024x1xf32>
    %slice3A_82 = vector.extract_strided_slice %dot_general3A_15 {offsets = [0, 896], sizes = [1024, 128], strides = [1, 1]} : vector<1024x2048xf32> to vector<1024x128xf32>
    %swap3A_83 = arith.constant 7 : index
    %swap3A_84 = arith.constant 0 : index
    %swap3A_85 = arith.constant 0 : index
    %swap3A_86 = vector.load %arg5[%swap3A_83, %swap3A_84, %swap3A_85] : memref<16x1024x128xf32, #tpu.memory_space<vmem>>, vector<1x1024x128xf32>
    %swap3A_87 = vector.shape_cast %swap3A_86 : vector<1x1024x128xf32> to vector<1024x128xf32>
    %swap3A_88 = vector.shape_cast %slice3A_82 : vector<1024x128xf32> to vector<1x1024x128xf32>
    tpu.vector_store %arg5[%swap3A_83, %swap3A_84, %swap3A_85], %swap3A_88 {strides = array<i32>} : memref<16x1024x128xf32, #tpu.memory_space<vmem>>, vector<1x1024x128xf32>,
    %reduce_max3A_89 = arith.constant dense<0xFF800000> : vector<1024xf32>
    %reduce_max3A_90 = vector.multi_reduction <maximumf>, %slice3A_82, %reduce_max3A_89 [1] : vector<1024x128xf32> to vector<1024xf32>
    %broadcast_in_dim3A_91 = vector.shape_cast %reduce_max3A_90 : vector<1024xf32> to vector<1024x1xf32>
    %slice3A_92 = vector.extract_strided_slice %dot_general3A_15 {offsets = [0, 1024], sizes = [1024, 128], strides = [1, 1]} : vector<1024x2048xf32> to vector<1024x128xf32>
    %swap3A_93 = arith.constant 8 : index
    %swap3A_94 = arith.constant 0 : index
    %swap3A_95 = arith.constant 0 : index
    %swap3A_96 = vector.load %arg5[%swap3A_93, %swap3A_94, %swap3A_95] : memref<16x1024x128xf32, #tpu.memory_space<vmem>>, vector<1x1024x128xf32>
    %swap3A_97 = vector.shape_cast %swap3A_96 : vector<1x1024x128xf32> to vector<1024x128xf32>
    %swap3A_98 = vector.shape_cast %slice3A_92 : vector<1024x128xf32> to vector<1x1024x128xf32>
    tpu.vector_store %arg5[%swap3A_93, %swap3A_94, %swap3A_95], %swap3A_98 {strides = array<i32>} : memref<16x1024x128xf32, #tpu.memory_space<vmem>>, vector<1x1024x128xf32>,
    %reduce_max3A_99 = arith.constant dense<0xFF800000> : vector<1024xf32>
    %reduce_max3A_100 = vector.multi_reduction <maximumf>, %slice3A_92, %reduce_max3A_99 [1] : vector<1024x128xf32> to vector<1024xf32>
    %broadcast_in_dim3A_101 = vector.shape_cast %reduce_max3A_100 : vector<1024xf32> to vector<1024x1xf32>
    %slice3A_102 = vector.extract_strided_slice %dot_general3A_15 {offsets = [0, 1152], sizes = [1024, 128], strides = [1, 1]} : vector<1024x2048xf32> to vector<1024x128xf32>
    %swap3A_103 = arith.constant 9 : index
    %swap3A_104 = arith.constant 0 : index
    %swap3A_105 = arith.constant 0 : index
    %swap3A_106 = vector.load %arg5[%swap3A_103, %swap3A_104, %swap3A_105] : memref<16x1024x128xf32, #tpu.memory_space<vmem>>, vector<1x1024x128xf32>
    %swap3A_107 = vector.shape_cast %swap3A_106 : vector<1x1024x128xf32> to vector<1024x128xf32>
    %swap3A_108 = vector.shape_cast %slice3A_102 : vector<1024x128xf32> to vector<1x1024x128xf32>
    tpu.vector_store %arg5[%swap3A_103, %swap3A_104, %swap3A_105], %swap3A_108 {strides = array<i32>} : memref<16x1024x128xf32, #tpu.memory_space<vmem>>, vector<1x1024x128xf32>,
    %reduce_max3A_109 = arith.constant dense<0xFF800000> : vector<1024xf32>
    %reduce_max3A_110 = vector.multi_reduction <maximumf>, %slice3A_102, %reduce_max3A_109 [1] : vector<1024x128xf32> to vector<1024xf32>
    %broadcast_in_dim3A_111 = vector.shape_cast %reduce_max3A_110 : vector<1024xf32> to vector<1024x1xf32>
    %slice3A_112 = vector.extract_strided_slice %dot_general3A_15 {offsets = [0, 1280], sizes = [1024, 128], strides = [1, 1]} : vector<1024x2048xf32> to vector<1024x128xf32>
    %swap3A_113 = arith.constant 10 : index
    %swap3A_114 = arith.constant 0 : index
    %swap3A_115 = arith.constant 0 : index
    %swap3A_116 = vector.load %arg5[%swap3A_113, %swap3A_114, %swap3A_115] : memref<16x1024x128xf32, #tpu.memory_space<vmem>>, vector<1x1024x128xf32>
    %swap3A_117 = vector.shape_cast %swap3A_116 : vector<1x1024x128xf32> to vector<1024x128xf32>
    %swap3A_118 = vector.shape_cast %slice3A_112 : vector<1024x128xf32> to vector<1x1024x128xf32>
    tpu.vector_store %arg5[%swap3A_113, %swap3A_114, %swap3A_115], %swap3A_118 {strides = array<i32>} : memref<16x1024x128xf32, #tpu.memory_space<vmem>>, vector<1x1024x128xf32>,
    %reduce_max3A_119 = arith.constant dense<0xFF800000> : vector<1024xf32>
    %reduce_max3A_120 = vector.multi_reduction <maximumf>, %slice3A_112, %reduce_max3A_119 [1] : vector<1024x128xf32> to vector<1024xf32>
    %broadcast_in_dim3A_121 = vector.shape_cast %reduce_max3A_120 : vector<1024xf32> to vector<1024x1xf32>
    %slice3A_122 = vector.extract_strided_slice %dot_general3A_15 {offsets = [0, 1408], sizes = [1024, 128], strides = [1, 1]} : vector<1024x2048xf32> to vector<1024x128xf32>
    %swap3A_123 = arith.constant 11 : index
    %swap3A_124 = arith.constant 0 : index
    %swap3A_125 = arith.constant 0 : index
    %swap3A_126 = vector.load %arg5[%swap3A_123, %swap3A_124, %swap3A_125] : memref<16x1024x128xf32, #tpu.memory_space<vmem>>, vector<1x1024x128xf32>
    %swap3A_127 = vector.shape_cast %swap3A_126 : vector<1x1024x128xf32> to vector<1024x128xf32>
    %swap3A_128 = vector.shape_cast %slice3A_122 : vector<1024x128xf32> to vector<1x1024x128xf32>
    tpu.vector_store %arg5[%swap3A_123, %swap3A_124, %swap3A_125], %swap3A_128 {strides = array<i32>} : memref<16x1024x128xf32, #tpu.memory_space<vmem>>, vector<1x1024x128xf32>,
    %reduce_max3A_129 = arith.constant dense<0xFF800000> : vector<1024xf32>
    %reduce_max3A_130 = vector.multi_reduction <maximumf>, %slice3A_122, %reduce_max3A_129 [1] : vector<1024x128xf32> to vector<1024xf32>
    %broadcast_in_dim3A_131 = vector.shape_cast %reduce_max3A_130 : vector<1024xf32> to vector<1024x1xf32>
    %slice3A_132 = vector.extract_strided_slice %dot_general3A_15 {offsets = [0, 1536], sizes = [1024, 128], strides = [1, 1]} : vector<1024x2048xf32> to vector<1024x128xf32>
    %swap3A_133 = arith.constant 12 : index
    %swap3A_134 = arith.constant 0 : index
    %swap3A_135 = arith.constant 0 : index
    %swap3A_136 = vector.load %arg5[%swap3A_133, %swap3A_134, %swap3A_135] : memref<16x1024x128xf32, #tpu.memory_space<vmem>>, vector<1x1024x128xf32>
    %swap3A_137 = vector.shape_cast %swap3A_136 : vector<1x1024x128xf32> to vector<1024x128xf32>
    %swap3A_138 = vector.shape_cast %slice3A_132 : vector<1024x128xf32> to vector<1x1024x128xf32>
    tpu.vector_store %arg5[%swap3A_133, %swap3A_134, %swap3A_135], %swap3A_138 {strides = array<i32>} : memref<16x1024x128xf32, #tpu.memory_space<vmem>>, vector<1x1024x128xf32>,
    %reduce_max3A_139 = arith.constant dense<0xFF800000> : vector<1024xf32>
    %reduce_max3A_140 = vector.multi_reduction <maximumf>, %slice3A_132, %reduce_max3A_139 [1] : vector<1024x128xf32> to vector<1024xf32>
    %broadcast_in_dim3A_141 = vector.shape_cast %reduce_max3A_140 : vector<1024xf32> to vector<1024x1xf32>
    %slice3A_142 = vector.extract_strided_slice %dot_general3A_15 {offsets = [0, 1664], sizes = [1024, 128], strides = [1, 1]} : vector<1024x2048xf32> to vector<1024x128xf32>
    %swap3A_143 = arith.constant 13 : index
    %swap3A_144 = arith.constant 0 : index
    %swap3A_145 = arith.constant 0 : index
    %swap3A_146 = vector.load %arg5[%swap3A_143, %swap3A_144, %swap3A_145] : memref<16x1024x128xf32, #tpu.memory_space<vmem>>, vector<1x1024x128xf32>
    %swap3A_147 = vector.shape_cast %swap3A_146 : vector<1x1024x128xf32> to vector<1024x128xf32>
    %swap3A_148 = vector.shape_cast %slice3A_142 : vector<1024x128xf32> to vector<1x1024x128xf32>
    tpu.vector_store %arg5[%swap3A_143, %swap3A_144, %swap3A_145], %swap3A_148 {strides = array<i32>} : memref<16x1024x128xf32, #tpu.memory_space<vmem>>, vector<1x1024x128xf32>,
    %reduce_max3A_149 = arith.constant dense<0xFF800000> : vector<1024xf32>
    %reduce_max3A_150 = vector.multi_reduction <maximumf>, %slice3A_142, %reduce_max3A_149 [1] : vector<1024x128xf32> to vector<1024xf32>
    %broadcast_in_dim3A_151 = vector.shape_cast %reduce_max3A_150 : vector<1024xf32> to vector<1024x1xf32>
    %slice3A_152 = vector.extract_strided_slice %dot_general3A_15 {offsets = [0, 1792], sizes = [1024, 128], strides = [1, 1]} : vector<1024x2048xf32> to vector<1024x128xf32>
    %swap3A_153 = arith.constant 14 : index
    %swap3A_154 = arith.constant 0 : index
    %swap3A_155 = arith.constant 0 : index
    %swap3A_156 = vector.load %arg5[%swap3A_153, %swap3A_154, %swap3A_155] : memref<16x1024x128xf32, #tpu.memory_space<vmem>>, vector<1x1024x128xf32>
    %swap3A_157 = vector.shape_cast %swap3A_156 : vector<1x1024x128xf32> to vector<1024x128xf32>
    %swap3A_158 = vector.shape_cast %slice3A_152 : vector<1024x128xf32> to vector<1x1024x128xf32>
    tpu.vector_store %arg5[%swap3A_153, %swap3A_154, %swap3A_155], %swap3A_158 {strides = array<i32>} : memref<16x1024x128xf32, #tpu.memory_space<vmem>>, vector<1x1024x128xf32>,
    %reduce_max3A_159 = arith.constant dense<0xFF800000> : vector<1024xf32>
    %reduce_max3A_160 = vector.multi_reduction <maximumf>, %slice3A_152, %reduce_max3A_159 [1] : vector<1024x128xf32> to vector<1024xf32>
    %broadcast_in_dim3A_161 = vector.shape_cast %reduce_max3A_160 : vector<1024xf32> to vector<1024x1xf32>
    %slice3A_162 = vector.extract_strided_slice %dot_general3A_15 {offsets = [0, 1920], sizes = [1024, 128], strides = [1, 1]} : vector<1024x2048xf32> to vector<1024x128xf32>
    %swap3A_163 = arith.constant 15 : index
    %swap3A_164 = arith.constant 0 : index
    %swap3A_165 = arith.constant 0 : index
    %swap3A_166 = vector.load %arg5[%swap3A_163, %swap3A_164, %swap3A_165] : memref<16x1024x128xf32, #tpu.memory_space<vmem>>, vector<1x1024x128xf32>
    %swap3A_167 = vector.shape_cast %swap3A_166 : vector<1x1024x128xf32> to vector<1024x128xf32>
    %swap3A_168 = vector.shape_cast %slice3A_162 : vector<1024x128xf32> to vector<1x1024x128xf32>
    tpu.vector_store %arg5[%swap3A_163, %swap3A_164, %swap3A_165], %swap3A_168 {strides = array<i32>} : memref<16x1024x128xf32, #tpu.memory_space<vmem>>, vector<1x1024x128xf32>,
    %reduce_max3A_169 = arith.constant dense<0xFF800000> : vector<1024xf32>
    %reduce_max3A_170 = vector.multi_reduction <maximumf>, %slice3A_162, %reduce_max3A_169 [1] : vector<1024x128xf32> to vector<1024xf32>
    %broadcast_in_dim3A_171 = vector.shape_cast %reduce_max3A_170 : vector<1024xf32> to vector<1024x1xf32>
    %concatenate3A = tpu.concatenate %broadcast_in_dim3A, %broadcast_in_dim3A_31, %broadcast_in_dim3A_41, %broadcast_in_dim3A_51, %broadcast_in_dim3A_61, %broadcast_in_dim3A_71, %broadcast_in_dim3A_81, %broadcast_in_dim3A_91, %broadcast_in_dim3A_101, %broadcast_in_dim3A_111, %broadcast_in_dim3A_121, %broadcast_in_dim3A_131, %broadcast_in_dim3A_141, %broadcast_in_dim3A_151, %broadcast_in_dim3A_161, %broadcast_in_dim3A_171 in 1 : vector<1024x1xf32>, vector<1024x1xf32>, vector<1024x1xf32>, vector<1024x1xf32>, vector<1024x1xf32>, vector<1024x1xf32>, vector<1024x1xf32>, vector<1024x1xf32>, vector<1024x1xf32>, vector<1024x1xf32>, vector<1024x1xf32>, vector<1024x1xf32>, vector<1024x1xf32>, vector<1024x1xf32>, vector<1024x1xf32>, vector<1024x1xf32> -> vector<1024x16xf32>
    %broadcast_in_dim3A_172 = vector.shape_cast %concatenate3A : vector<1024x16xf32> to vector<1x1024x16xf32>
    %swap3A_173 = arith.constant 0 : index
    %swap3A_174 = arith.constant 0 : index
    %swap3A_175 = arith.constant 0 : index
    %swap3A_176 = vector.load %arg6[%swap3A_173, %swap3A_174, %swap3A_175] : memref<1x1024x16xf32, #tpu.memory_space<vmem>>, vector<1x1024x16xf32>
    tpu.vector_store %arg6[%swap3A_173, %swap3A_174, %swap3A_175], %broadcast_in_dim3A_172 {strides = array<i32>} : memref<1x1024x16xf32, #tpu.memory_space<vmem>>, vector<1x1024x16xf32>,
    return
  }
  func.func @transform_0(%arg0: i32) -> (i32, i32) {
    %c0_i32 = arith.constant 0 : i32
    %c0_i32_0 = arith.constant 0 : i32
    %c0_i32_1 = arith.constant 0 : i32
    return %c0_i32, %c0_i32_0 : i32, i32
  }
  func.func @transform_1(%arg0: i32) -> (i32, i32) {
    %c0_i32 = arith.constant 0 : i32
    %c0_i32_0 = arith.constant 0 : i32
    return %arg0, %c0_i32 : i32, i32
  }
  func.func @transform_2(%arg0: i32) -> (i32, i32) {
    %c0_i32 = arith.constant 0 : i32
    %c0_i32_0 = arith.constant 0 : i32
    %c0_i32_1 = arith.constant 0 : i32
    return %c0_i32, %c0_i32_0 : i32, i32
  }
  func.func @transform_3(%arg0: i32) -> (i32, i32) {
    %c0_i32 = arith.constant 0 : i32
    %c0_i32_0 = arith.constant 0 : i32
    return %arg0, %c0_i32 : i32, i32
  }
  func.func @transform_4(%arg0: i32) -> (i32, i32, i32) {
    %c0_i32 = arith.constant 0 : i32
    %c0_i32_0 = arith.constant 0 : i32
    %c0_i32_1 = arith.constant 0 : i32
    return %arg0, %c0_i32, %c0_i32_0 : i32, i32, i32
  }
  func.func @transform_5(%arg0: i32) -> (i32, i32, i32) {
    %c0_i32 = arith.constant 0 : i32
    %c0_i32_0 = arith.constant 0 : i32
    %c0_i32_1 = arith.constant 0 : i32
    return %arg0, %c0_i32, %c0_i32_0 : i32, i32, i32
  }
}

module attributes {stable_mosaic.version = 14 : i64} {
  func.func @_chunk_top8_body(%arg0: memref<1024x512xf32, #tpu.memory_space<vmem>>, %arg1: memref<1024x128xi32, #tpu.memory_space<vmem>>) attributes {dimension_semantics = [], scalar_prefetch = 0 : i64, scratch_operands = 0 : i64, tpu.core_type = #tpu.core_type<tc>} {
    %get3A = arith.constant 0 : index
    %get3A_0 = arith.constant 0 : index
    %get3A_1 = vector.load %arg0[%get3A, %get3A_0] : memref<1024x512xf32, #tpu.memory_space<vmem>>, vector<1024x512xf32>
    %iota3A = tpu.iota {dimensions = array<i32: 1>} : vector<1024x512xi32>
    %reduce_max3A = arith.constant dense<0xFF800000> : vector<1024xf32>
    %reduce_max3A_2 = vector.multi_reduction <maximumf>, %get3A_1, %reduce_max3A [1] : vector<1024x512xf32> to vector<1024xf32>
    %broadcast_in_dim3A = vector.shape_cast %reduce_max3A_2 : vector<1024xf32> to vector<1024x1xf32>
    %eq3A = vector.broadcast %broadcast_in_dim3A : vector<1024x1xf32> to vector<1024x512xf32>
    %eq3A_3 = arith.cmpf oeq, %get3A_1, %eq3A : vector<1024x512xf32>
    %jit3A = arith.constant 1073741824 : i32
    %broadcast_in_dim3A_4 = vector.broadcast %jit3A : i32 to vector<1024x512xi32>
    %select_n3A = arith.select %eq3A_3, %iota3A, %broadcast_in_dim3A_4 : vector<1024x512xi1>, vector<1024x512xi32>
    %reduce_min3A = arith.constant dense<2147483647> : vector<1024xi32>
    %reduce_min3A_5 = vector.multi_reduction <minsi>, %select_n3A, %reduce_min3A [1] : vector<1024x512xi32> to vector<1024xi32>
    %broadcast_in_dim3A_6 = vector.shape_cast %reduce_min3A_5 : vector<1024xi32> to vector<1024x1xi32>
    %eq3A_7 = vector.broadcast %broadcast_in_dim3A_6 : vector<1024x1xi32> to vector<1024x512xi32>
    %eq3A_8 = arith.cmpi eq, %iota3A, %eq3A_7 : vector<1024x512xi32>
    %jit3A_9 = arith.constant -1.000000e+30 : f32
    %broadcast_in_dim3A_10 = vector.broadcast %jit3A_9 : f32 to vector<1024x512xf32>
    %select_n3A_11 = arith.select %eq3A_8, %broadcast_in_dim3A_10, %get3A_1 : vector<1024x512xi1>, vector<1024x512xf32>
    %reduce_max3A_12 = arith.constant dense<0xFF800000> : vector<1024xf32>
    %reduce_max3A_13 = vector.multi_reduction <maximumf>, %select_n3A_11, %reduce_max3A_12 [1] : vector<1024x512xf32> to vector<1024xf32>
    %broadcast_in_dim3A_14 = vector.shape_cast %reduce_max3A_13 : vector<1024xf32> to vector<1024x1xf32>
    %eq3A_15 = vector.broadcast %broadcast_in_dim3A_14 : vector<1024x1xf32> to vector<1024x512xf32>
    %eq3A_16 = arith.cmpf oeq, %select_n3A_11, %eq3A_15 : vector<1024x512xf32>
    %jit3A_17 = arith.constant 1073741824 : i32
    %broadcast_in_dim3A_18 = vector.broadcast %jit3A_17 : i32 to vector<1024x512xi32>
    %select_n3A_19 = arith.select %eq3A_16, %iota3A, %broadcast_in_dim3A_18 : vector<1024x512xi1>, vector<1024x512xi32>
    %reduce_min3A_20 = arith.constant dense<2147483647> : vector<1024xi32>
    %reduce_min3A_21 = vector.multi_reduction <minsi>, %select_n3A_19, %reduce_min3A_20 [1] : vector<1024x512xi32> to vector<1024xi32>
    %broadcast_in_dim3A_22 = vector.shape_cast %reduce_min3A_21 : vector<1024xi32> to vector<1024x1xi32>
    %eq3A_23 = vector.broadcast %broadcast_in_dim3A_22 : vector<1024x1xi32> to vector<1024x512xi32>
    %eq3A_24 = arith.cmpi eq, %iota3A, %eq3A_23 : vector<1024x512xi32>
    %jit3A_25 = arith.constant -1.000000e+30 : f32
    %broadcast_in_dim3A_26 = vector.broadcast %jit3A_25 : f32 to vector<1024x512xf32>
    %select_n3A_27 = arith.select %eq3A_24, %broadcast_in_dim3A_26, %select_n3A_11 : vector<1024x512xi1>, vector<1024x512xf32>
    %reduce_max3A_28 = arith.constant dense<0xFF800000> : vector<1024xf32>
    %reduce_max3A_29 = vector.multi_reduction <maximumf>, %select_n3A_27, %reduce_max3A_28 [1] : vector<1024x512xf32> to vector<1024xf32>
    %broadcast_in_dim3A_30 = vector.shape_cast %reduce_max3A_29 : vector<1024xf32> to vector<1024x1xf32>
    %eq3A_31 = vector.broadcast %broadcast_in_dim3A_30 : vector<1024x1xf32> to vector<1024x512xf32>
    %eq3A_32 = arith.cmpf oeq, %select_n3A_27, %eq3A_31 : vector<1024x512xf32>
    %jit3A_33 = arith.constant 1073741824 : i32
    %broadcast_in_dim3A_34 = vector.broadcast %jit3A_33 : i32 to vector<1024x512xi32>
    %select_n3A_35 = arith.select %eq3A_32, %iota3A, %broadcast_in_dim3A_34 : vector<1024x512xi1>, vector<1024x512xi32>
    %reduce_min3A_36 = arith.constant dense<2147483647> : vector<1024xi32>
    %reduce_min3A_37 = vector.multi_reduction <minsi>, %select_n3A_35, %reduce_min3A_36 [1] : vector<1024x512xi32> to vector<1024xi32>
    %broadcast_in_dim3A_38 = vector.shape_cast %reduce_min3A_37 : vector<1024xi32> to vector<1024x1xi32>
    %eq3A_39 = vector.broadcast %broadcast_in_dim3A_38 : vector<1024x1xi32> to vector<1024x512xi32>
    %eq3A_40 = arith.cmpi eq, %iota3A, %eq3A_39 : vector<1024x512xi32>
    %jit3A_41 = arith.constant -1.000000e+30 : f32
    %broadcast_in_dim3A_42 = vector.broadcast %jit3A_41 : f32 to vector<1024x512xf32>
    %select_n3A_43 = arith.select %eq3A_40, %broadcast_in_dim3A_42, %select_n3A_27 : vector<1024x512xi1>, vector<1024x512xf32>
    %reduce_max3A_44 = arith.constant dense<0xFF800000> : vector<1024xf32>
    %reduce_max3A_45 = vector.multi_reduction <maximumf>, %select_n3A_43, %reduce_max3A_44 [1] : vector<1024x512xf32> to vector<1024xf32>
    %broadcast_in_dim3A_46 = vector.shape_cast %reduce_max3A_45 : vector<1024xf32> to vector<1024x1xf32>
    %eq3A_47 = vector.broadcast %broadcast_in_dim3A_46 : vector<1024x1xf32> to vector<1024x512xf32>
    %eq3A_48 = arith.cmpf oeq, %select_n3A_43, %eq3A_47 : vector<1024x512xf32>
    %jit3A_49 = arith.constant 1073741824 : i32
    %broadcast_in_dim3A_50 = vector.broadcast %jit3A_49 : i32 to vector<1024x512xi32>
    %select_n3A_51 = arith.select %eq3A_48, %iota3A, %broadcast_in_dim3A_50 : vector<1024x512xi1>, vector<1024x512xi32>
    %reduce_min3A_52 = arith.constant dense<2147483647> : vector<1024xi32>
    %reduce_min3A_53 = vector.multi_reduction <minsi>, %select_n3A_51, %reduce_min3A_52 [1] : vector<1024x512xi32> to vector<1024xi32>
    %broadcast_in_dim3A_54 = vector.shape_cast %reduce_min3A_53 : vector<1024xi32> to vector<1024x1xi32>
    %eq3A_55 = vector.broadcast %broadcast_in_dim3A_54 : vector<1024x1xi32> to vector<1024x512xi32>
    %eq3A_56 = arith.cmpi eq, %iota3A, %eq3A_55 : vector<1024x512xi32>
    %jit3A_57 = arith.constant -1.000000e+30 : f32
    %broadcast_in_dim3A_58 = vector.broadcast %jit3A_57 : f32 to vector<1024x512xf32>
    %select_n3A_59 = arith.select %eq3A_56, %broadcast_in_dim3A_58, %select_n3A_43 : vector<1024x512xi1>, vector<1024x512xf32>
    %reduce_max3A_60 = arith.constant dense<0xFF800000> : vector<1024xf32>
    %reduce_max3A_61 = vector.multi_reduction <maximumf>, %select_n3A_59, %reduce_max3A_60 [1] : vector<1024x512xf32> to vector<1024xf32>
    %broadcast_in_dim3A_62 = vector.shape_cast %reduce_max3A_61 : vector<1024xf32> to vector<1024x1xf32>
    %eq3A_63 = vector.broadcast %broadcast_in_dim3A_62 : vector<1024x1xf32> to vector<1024x512xf32>
    %eq3A_64 = arith.cmpf oeq, %select_n3A_59, %eq3A_63 : vector<1024x512xf32>
    %jit3A_65 = arith.constant 1073741824 : i32
    %broadcast_in_dim3A_66 = vector.broadcast %jit3A_65 : i32 to vector<1024x512xi32>
    %select_n3A_67 = arith.select %eq3A_64, %iota3A, %broadcast_in_dim3A_66 : vector<1024x512xi1>, vector<1024x512xi32>
    %reduce_min3A_68 = arith.constant dense<2147483647> : vector<1024xi32>
    %reduce_min3A_69 = vector.multi_reduction <minsi>, %select_n3A_67, %reduce_min3A_68 [1] : vector<1024x512xi32> to vector<1024xi32>
    %broadcast_in_dim3A_70 = vector.shape_cast %reduce_min3A_69 : vector<1024xi32> to vector<1024x1xi32>
    %eq3A_71 = vector.broadcast %broadcast_in_dim3A_70 : vector<1024x1xi32> to vector<1024x512xi32>
    %eq3A_72 = arith.cmpi eq, %iota3A, %eq3A_71 : vector<1024x512xi32>
    %jit3A_73 = arith.constant -1.000000e+30 : f32
    %broadcast_in_dim3A_74 = vector.broadcast %jit3A_73 : f32 to vector<1024x512xf32>
    %select_n3A_75 = arith.select %eq3A_72, %broadcast_in_dim3A_74, %select_n3A_59 : vector<1024x512xi1>, vector<1024x512xf32>
    %reduce_max3A_76 = arith.constant dense<0xFF800000> : vector<1024xf32>
    %reduce_max3A_77 = vector.multi_reduction <maximumf>, %select_n3A_75, %reduce_max3A_76 [1] : vector<1024x512xf32> to vector<1024xf32>
    %broadcast_in_dim3A_78 = vector.shape_cast %reduce_max3A_77 : vector<1024xf32> to vector<1024x1xf32>
    %eq3A_79 = vector.broadcast %broadcast_in_dim3A_78 : vector<1024x1xf32> to vector<1024x512xf32>
    %eq3A_80 = arith.cmpf oeq, %select_n3A_75, %eq3A_79 : vector<1024x512xf32>
    %jit3A_81 = arith.constant 1073741824 : i32
    %broadcast_in_dim3A_82 = vector.broadcast %jit3A_81 : i32 to vector<1024x512xi32>
    %select_n3A_83 = arith.select %eq3A_80, %iota3A, %broadcast_in_dim3A_82 : vector<1024x512xi1>, vector<1024x512xi32>
    %reduce_min3A_84 = arith.constant dense<2147483647> : vector<1024xi32>
    %reduce_min3A_85 = vector.multi_reduction <minsi>, %select_n3A_83, %reduce_min3A_84 [1] : vector<1024x512xi32> to vector<1024xi32>
    %broadcast_in_dim3A_86 = vector.shape_cast %reduce_min3A_85 : vector<1024xi32> to vector<1024x1xi32>
    %eq3A_87 = vector.broadcast %broadcast_in_dim3A_86 : vector<1024x1xi32> to vector<1024x512xi32>
    %eq3A_88 = arith.cmpi eq, %iota3A, %eq3A_87 : vector<1024x512xi32>
    %jit3A_89 = arith.constant -1.000000e+30 : f32
    %broadcast_in_dim3A_90 = vector.broadcast %jit3A_89 : f32 to vector<1024x512xf32>
    %select_n3A_91 = arith.select %eq3A_88, %broadcast_in_dim3A_90, %select_n3A_75 : vector<1024x512xi1>, vector<1024x512xf32>
    %reduce_max3A_92 = arith.constant dense<0xFF800000> : vector<1024xf32>
    %reduce_max3A_93 = vector.multi_reduction <maximumf>, %select_n3A_91, %reduce_max3A_92 [1] : vector<1024x512xf32> to vector<1024xf32>
    %broadcast_in_dim3A_94 = vector.shape_cast %reduce_max3A_93 : vector<1024xf32> to vector<1024x1xf32>
    %eq3A_95 = vector.broadcast %broadcast_in_dim3A_94 : vector<1024x1xf32> to vector<1024x512xf32>
    %eq3A_96 = arith.cmpf oeq, %select_n3A_91, %eq3A_95 : vector<1024x512xf32>
    %jit3A_97 = arith.constant 1073741824 : i32
    %broadcast_in_dim3A_98 = vector.broadcast %jit3A_97 : i32 to vector<1024x512xi32>
    %select_n3A_99 = arith.select %eq3A_96, %iota3A, %broadcast_in_dim3A_98 : vector<1024x512xi1>, vector<1024x512xi32>
    %reduce_min3A_100 = arith.constant dense<2147483647> : vector<1024xi32>
    %reduce_min3A_101 = vector.multi_reduction <minsi>, %select_n3A_99, %reduce_min3A_100 [1] : vector<1024x512xi32> to vector<1024xi32>
    %broadcast_in_dim3A_102 = vector.shape_cast %reduce_min3A_101 : vector<1024xi32> to vector<1024x1xi32>
    %eq3A_103 = vector.broadcast %broadcast_in_dim3A_102 : vector<1024x1xi32> to vector<1024x512xi32>
    %eq3A_104 = arith.cmpi eq, %iota3A, %eq3A_103 : vector<1024x512xi32>
    %jit3A_105 = arith.constant -1.000000e+30 : f32
    %broadcast_in_dim3A_106 = vector.broadcast %jit3A_105 : f32 to vector<1024x512xf32>
    %select_n3A_107 = arith.select %eq3A_104, %broadcast_in_dim3A_106, %select_n3A_91 : vector<1024x512xi1>, vector<1024x512xf32>
    %reduce_max3A_108 = arith.constant dense<0xFF800000> : vector<1024xf32>
    %reduce_max3A_109 = vector.multi_reduction <maximumf>, %select_n3A_107, %reduce_max3A_108 [1] : vector<1024x512xf32> to vector<1024xf32>
    %broadcast_in_dim3A_110 = vector.shape_cast %reduce_max3A_109 : vector<1024xf32> to vector<1024x1xf32>
    %eq3A_111 = vector.broadcast %broadcast_in_dim3A_110 : vector<1024x1xf32> to vector<1024x512xf32>
    %eq3A_112 = arith.cmpf oeq, %select_n3A_107, %eq3A_111 : vector<1024x512xf32>
    %jit3A_113 = arith.constant 1073741824 : i32
    %broadcast_in_dim3A_114 = vector.broadcast %jit3A_113 : i32 to vector<1024x512xi32>
    %select_n3A_115 = arith.select %eq3A_112, %iota3A, %broadcast_in_dim3A_114 : vector<1024x512xi1>, vector<1024x512xi32>
    %reduce_min3A_116 = arith.constant dense<2147483647> : vector<1024xi32>
    %reduce_min3A_117 = vector.multi_reduction <minsi>, %select_n3A_115, %reduce_min3A_116 [1] : vector<1024x512xi32> to vector<1024xi32>
    %broadcast_in_dim3A_118 = vector.shape_cast %reduce_min3A_117 : vector<1024xi32> to vector<1024x1xi32>
    %broadcast_in_dim3A_119 = arith.constant 0 : i32
    %broadcast_in_dim3A_120 = vector.broadcast %broadcast_in_dim3A_119 : i32 to vector<1024x120xi32>
    %concatenate3A = tpu.concatenate %broadcast_in_dim3A_6, %broadcast_in_dim3A_22, %broadcast_in_dim3A_38, %broadcast_in_dim3A_54, %broadcast_in_dim3A_70, %broadcast_in_dim3A_86, %broadcast_in_dim3A_102, %broadcast_in_dim3A_118, %broadcast_in_dim3A_120 in 1 : vector<1024x1xi32>, vector<1024x1xi32>, vector<1024x1xi32>, vector<1024x1xi32>, vector<1024x1xi32>, vector<1024x1xi32>, vector<1024x1xi32>, vector<1024x1xi32>, vector<1024x120xi32> -> vector<1024x128xi32>
    %swap3A = arith.constant 0 : index
    %swap3A_121 = arith.constant 0 : index
    %swap3A_122 = vector.load %arg1[%swap3A, %swap3A_121] : memref<1024x128xi32, #tpu.memory_space<vmem>>, vector<1024x128xi32>
    tpu.vector_store %arg1[%swap3A, %swap3A_121], %concatenate3A {strides = array<i32>} : memref<1024x128xi32, #tpu.memory_space<vmem>>, vector<1024x128xi32>,
    return
  }
}

module attributes {stable_mosaic.version = 14 : i64} {
  func.func @_final_body(%arg0: memref<1024x8x128xf32, #tpu.memory_space<vmem>>, %arg1: memref<1024x128xi32, #tpu.memory_space<vmem>>, %arg2: memref<1024x128xi32, #tpu.memory_space<vmem>>, %arg3: memref<1024x128xf32, #tpu.memory_space<vmem>>, %arg4: memref<8x128xf32, #tpu.memory_space<vmem>>) attributes {dimension_semantics = [], scalar_prefetch = 0 : i64, scratch_operands = 0 : i64, tpu.core_type = #tpu.core_type<tc>} {
    %iota3A = tpu.iota {dimensions = array<i32: 1>} : vector<1024x128xi32>
    %get3A = arith.constant 0 : index
    %get3A_0 = arith.constant 0 : index
    %get3A_1 = vector.load %arg1[%get3A, %get3A_0] : memref<1024x128xi32, #tpu.memory_space<vmem>>, vector<1024x1xi32>
    %mul3A = arith.constant 128 : i32
    %mul3A_2 = vector.broadcast %mul3A : i32 to vector<1024x1xi32>
    %mul3A_3 = arith.muli %get3A_1, %mul3A_2 : vector<1024x1xi32>
    %add3A = vector.broadcast %mul3A_3 : vector<1024x1xi32> to vector<1024x128xi32>
    %add3A_4 = arith.addi %add3A, %iota3A : vector<1024x128xi32>
    %get3A_5 = arith.constant 0 : index
    %get3A_6 = arith.constant 1 : index
    %get3A_7 = vector.load %arg1[%get3A_5, %get3A_6] : memref<1024x128xi32, #tpu.memory_space<vmem>>, vector<1024x1xi32>
    %mul3A_8 = arith.constant 128 : i32
    %mul3A_9 = vector.broadcast %mul3A_8 : i32 to vector<1024x1xi32>
    %mul3A_10 = arith.muli %get3A_7, %mul3A_9 : vector<1024x1xi32>
    %add3A_11 = vector.broadcast %mul3A_10 : vector<1024x1xi32> to vector<1024x128xi32>
    %add3A_12 = arith.addi %add3A_11, %iota3A : vector<1024x128xi32>
    %get3A_13 = arith.constant 0 : index
    %get3A_14 = arith.constant 2 : index
    %get3A_15 = vector.load %arg1[%get3A_13, %get3A_14] : memref<1024x128xi32, #tpu.memory_space<vmem>>, vector<1024x1xi32>
    %mul3A_16 = arith.constant 128 : i32
    %mul3A_17 = vector.broadcast %mul3A_16 : i32 to vector<1024x1xi32>
    %mul3A_18 = arith.muli %get3A_15, %mul3A_17 : vector<1024x1xi32>
    %add3A_19 = vector.broadcast %mul3A_18 : vector<1024x1xi32> to vector<1024x128xi32>
    %add3A_20 = arith.addi %add3A_19, %iota3A : vector<1024x128xi32>
    %get3A_21 = arith.constant 0 : index
    %get3A_22 = arith.constant 3 : index
    %get3A_23 = vector.load %arg1[%get3A_21, %get3A_22] : memref<1024x128xi32, #tpu.memory_space<vmem>>, vector<1024x1xi32>
    %mul3A_24 = arith.constant 128 : i32
    %mul3A_25 = vector.broadcast %mul3A_24 : i32 to vector<1024x1xi32>
    %mul3A_26 = arith.muli %get3A_23, %mul3A_25 : vector<1024x1xi32>
    %add3A_27 = vector.broadcast %mul3A_26 : vector<1024x1xi32> to vector<1024x128xi32>
    %add3A_28 = arith.addi %add3A_27, %iota3A : vector<1024x128xi32>
    %get3A_29 = arith.constant 0 : index
    %get3A_30 = arith.constant 4 : index
    %get3A_31 = vector.load %arg1[%get3A_29, %get3A_30] : memref<1024x128xi32, #tpu.memory_space<vmem>>, vector<1024x1xi32>
    %mul3A_32 = arith.constant 128 : i32
    %mul3A_33 = vector.broadcast %mul3A_32 : i32 to vector<1024x1xi32>
    %mul3A_34 = arith.muli %get3A_31, %mul3A_33 : vector<1024x1xi32>
    %add3A_35 = vector.broadcast %mul3A_34 : vector<1024x1xi32> to vector<1024x128xi32>
    %add3A_36 = arith.addi %add3A_35, %iota3A : vector<1024x128xi32>
    %get3A_37 = arith.constant 0 : index
    %get3A_38 = arith.constant 5 : index
    %get3A_39 = vector.load %arg1[%get3A_37, %get3A_38] : memref<1024x128xi32, #tpu.memory_space<vmem>>, vector<1024x1xi32>
    %mul3A_40 = arith.constant 128 : i32
    %mul3A_41 = vector.broadcast %mul3A_40 : i32 to vector<1024x1xi32>
    %mul3A_42 = arith.muli %get3A_39, %mul3A_41 : vector<1024x1xi32>
    %add3A_43 = vector.broadcast %mul3A_42 : vector<1024x1xi32> to vector<1024x128xi32>
    %add3A_44 = arith.addi %add3A_43, %iota3A : vector<1024x128xi32>
    %get3A_45 = arith.constant 0 : index
    %get3A_46 = arith.constant 6 : index
    %get3A_47 = vector.load %arg1[%get3A_45, %get3A_46] : memref<1024x128xi32, #tpu.memory_space<vmem>>, vector<1024x1xi32>
    %mul3A_48 = arith.constant 128 : i32
    %mul3A_49 = vector.broadcast %mul3A_48 : i32 to vector<1024x1xi32>
    %mul3A_50 = arith.muli %get3A_47, %mul3A_49 : vector<1024x1xi32>
    %add3A_51 = vector.broadcast %mul3A_50 : vector<1024x1xi32> to vector<1024x128xi32>
    %add3A_52 = arith.addi %add3A_51, %iota3A : vector<1024x128xi32>
    %get3A_53 = arith.constant 0 : index
    %get3A_54 = arith.constant 7 : index
    %get3A_55 = vector.load %arg1[%get3A_53, %get3A_54] : memref<1024x128xi32, #tpu.memory_space<vmem>>, vector<1024x1xi32>
    %mul3A_56 = arith.constant 128 : i32
    %mul3A_57 = vector.broadcast %mul3A_56 : i32 to vector<1024x1xi32>
    %mul3A_58 = arith.muli %get3A_55, %mul3A_57 : vector<1024x1xi32>
    %add3A_59 = vector.broadcast %mul3A_58 : vector<1024x1xi32> to vector<1024x128xi32>
    %add3A_60 = arith.addi %add3A_59, %iota3A : vector<1024x128xi32>
    %concatenate3A = tpu.concatenate %add3A_4, %add3A_12, %add3A_20, %add3A_28, %add3A_36, %add3A_44, %add3A_52, %add3A_60 in 1 : vector<1024x128xi32>, vector<1024x128xi32>, vector<1024x128xi32>, vector<1024x128xi32>, vector<1024x128xi32>, vector<1024x128xi32>, vector<1024x128xi32>, vector<1024x128xi32> -> vector<1024x1024xi32>
    %get3A_61 = arith.constant 0 : index
    %get3A_62 = arith.constant 0 : index
    %get3A_63 = arith.constant 0 : index
    %get3A_64 = vector.load %arg0[%get3A_61, %get3A_62, %get3A_63] : memref<1024x8x128xf32, #tpu.memory_space<vmem>>, vector<1024x8x128xf32>
    %slice3A = vector.extract_strided_slice %get3A_64 {offsets = [0, 0, 0], sizes = [1024, 1, 128], strides = [1, 1, 1]} : vector<1024x8x128xf32> to vector<1024x1x128xf32>
    %squeeze3A = vector.shape_cast %slice3A : vector<1024x1x128xf32> to vector<1024x128xf32>
    %slice3A_65 = vector.extract_strided_slice %get3A_64 {offsets = [0, 1, 0], sizes = [1024, 1, 128], strides = [1, 1, 1]} : vector<1024x8x128xf32> to vector<1024x1x128xf32>
    %squeeze3A_66 = vector.shape_cast %slice3A_65 : vector<1024x1x128xf32> to vector<1024x128xf32>
    %slice3A_67 = vector.extract_strided_slice %get3A_64 {offsets = [0, 2, 0], sizes = [1024, 1, 128], strides = [1, 1, 1]} : vector<1024x8x128xf32> to vector<1024x1x128xf32>
    %squeeze3A_68 = vector.shape_cast %slice3A_67 : vector<1024x1x128xf32> to vector<1024x128xf32>
    %slice3A_69 = vector.extract_strided_slice %get3A_64 {offsets = [0, 3, 0], sizes = [1024, 1, 128], strides = [1, 1, 1]} : vector<1024x8x128xf32> to vector<1024x1x128xf32>
    %squeeze3A_70 = vector.shape_cast %slice3A_69 : vector<1024x1x128xf32> to vector<1024x128xf32>
    %slice3A_71 = vector.extract_strided_slice %get3A_64 {offsets = [0, 4, 0], sizes = [1024, 1, 128], strides = [1, 1, 1]} : vector<1024x8x128xf32> to vector<1024x1x128xf32>
    %squeeze3A_72 = vector.shape_cast %slice3A_71 : vector<1024x1x128xf32> to vector<1024x128xf32>
    %slice3A_73 = vector.extract_strided_slice %get3A_64 {offsets = [0, 5, 0], sizes = [1024, 1, 128], strides = [1, 1, 1]} : vector<1024x8x128xf32> to vector<1024x1x128xf32>
    %squeeze3A_74 = vector.shape_cast %slice3A_73 : vector<1024x1x128xf32> to vector<1024x128xf32>
    %slice3A_75 = vector.extract_strided_slice %get3A_64 {offsets = [0, 6, 0], sizes = [1024, 1, 128], strides = [1, 1, 1]} : vector<1024x8x128xf32> to vector<1024x1x128xf32>
    %squeeze3A_76 = vector.shape_cast %slice3A_75 : vector<1024x1x128xf32> to vector<1024x128xf32>
    %slice3A_77 = vector.extract_strided_slice %get3A_64 {offsets = [0, 7, 0], sizes = [1024, 1, 128], strides = [1, 1, 1]} : vector<1024x8x128xf32> to vector<1024x1x128xf32>
    %squeeze3A_78 = vector.shape_cast %slice3A_77 : vector<1024x1x128xf32> to vector<1024x128xf32>
    %concatenate3A_79 = tpu.concatenate %squeeze3A, %squeeze3A_66, %squeeze3A_68, %squeeze3A_70, %squeeze3A_72, %squeeze3A_74, %squeeze3A_76, %squeeze3A_78 in 1 : vector<1024x128xf32>, vector<1024x128xf32>, vector<1024x128xf32>, vector<1024x128xf32>, vector<1024x128xf32>, vector<1024x128xf32>, vector<1024x128xf32>, vector<1024x128xf32> -> vector<1024x1024xf32>
    %reduce_max3A = arith.constant dense<0xFF800000> : vector<1024xf32>
    %reduce_max3A_80 = vector.multi_reduction <maximumf>, %concatenate3A_79, %reduce_max3A [1] : vector<1024x1024xf32> to vector<1024xf32>
    %broadcast_in_dim3A = vector.shape_cast %reduce_max3A_80 : vector<1024xf32> to vector<1024x1xf32>
    %eq3A = vector.broadcast %broadcast_in_dim3A : vector<1024x1xf32> to vector<1024x1024xf32>
    %eq3A_81 = arith.cmpf oeq, %concatenate3A_79, %eq3A : vector<1024x1024xf32>
    %jit3A = arith.constant 1073741824 : i32
    %broadcast_in_dim3A_82 = vector.broadcast %jit3A : i32 to vector<1024x1024xi32>
    %select_n3A = arith.select %eq3A_81, %concatenate3A, %broadcast_in_dim3A_82 : vector<1024x1024xi1>, vector<1024x1024xi32>
    %reduce_min3A = arith.constant dense<2147483647> : vector<1024xi32>
    %reduce_min3A_83 = vector.multi_reduction <minsi>, %select_n3A, %reduce_min3A [1] : vector<1024x1024xi32> to vector<1024xi32>
    %broadcast_in_dim3A_84 = vector.shape_cast %reduce_min3A_83 : vector<1024xi32> to vector<1024x1xi32>
    %eq3A_85 = vector.broadcast %broadcast_in_dim3A_84 : vector<1024x1xi32> to vector<1024x1024xi32>
    %eq3A_86 = arith.cmpi eq, %concatenate3A, %eq3A_85 : vector<1024x1024xi32>
    %jit3A_87 = arith.constant -1.000000e+30 : f32
    %broadcast_in_dim3A_88 = vector.broadcast %jit3A_87 : f32 to vector<1024x1024xf32>
    %select_n3A_89 = arith.select %eq3A_86, %broadcast_in_dim3A_88, %concatenate3A_79 : vector<1024x1024xi1>, vector<1024x1024xf32>
    %reduce_max3A_90 = arith.constant dense<0xFF800000> : vector<1024xf32>
    %reduce_max3A_91 = vector.multi_reduction <maximumf>, %select_n3A_89, %reduce_max3A_90 [1] : vector<1024x1024xf32> to vector<1024xf32>
    %broadcast_in_dim3A_92 = vector.shape_cast %reduce_max3A_91 : vector<1024xf32> to vector<1024x1xf32>
    %eq3A_93 = vector.broadcast %broadcast_in_dim3A_92 : vector<1024x1xf32> to vector<1024x1024xf32>
    %eq3A_94 = arith.cmpf oeq, %select_n3A_89, %eq3A_93 : vector<1024x1024xf32>
    %jit3A_95 = arith.constant 1073741824 : i32
    %broadcast_in_dim3A_96 = vector.broadcast %jit3A_95 : i32 to vector<1024x1024xi32>
    %select_n3A_97 = arith.select %eq3A_94, %concatenate3A, %broadcast_in_dim3A_96 : vector<1024x1024xi1>, vector<1024x1024xi32>
    %reduce_min3A_98 = arith.constant dense<2147483647> : vector<1024xi32>
    %reduce_min3A_99 = vector.multi_reduction <minsi>, %select_n3A_97, %reduce_min3A_98 [1] : vector<1024x1024xi32> to vector<1024xi32>
    %broadcast_in_dim3A_100 = vector.shape_cast %reduce_min3A_99 : vector<1024xi32> to vector<1024x1xi32>
    %eq3A_101 = vector.broadcast %broadcast_in_dim3A_100 : vector<1024x1xi32> to vector<1024x1024xi32>
    %eq3A_102 = arith.cmpi eq, %concatenate3A, %eq3A_101 : vector<1024x1024xi32>
    %jit3A_103 = arith.constant -1.000000e+30 : f32
    %broadcast_in_dim3A_104 = vector.broadcast %jit3A_103 : f32 to vector<1024x1024xf32>
    %select_n3A_105 = arith.select %eq3A_102, %broadcast_in_dim3A_104, %select_n3A_89 : vector<1024x1024xi1>, vector<1024x1024xf32>
    %reduce_max3A_106 = arith.constant dense<0xFF800000> : vector<1024xf32>
    %reduce_max3A_107 = vector.multi_reduction <maximumf>, %select_n3A_105, %reduce_max3A_106 [1] : vector<1024x1024xf32> to vector<1024xf32>
    %broadcast_in_dim3A_108 = vector.shape_cast %reduce_max3A_107 : vector<1024xf32> to vector<1024x1xf32>
    %eq3A_109 = vector.broadcast %broadcast_in_dim3A_108 : vector<1024x1xf32> to vector<1024x1024xf32>
    %eq3A_110 = arith.cmpf oeq, %select_n3A_105, %eq3A_109 : vector<1024x1024xf32>
    %jit3A_111 = arith.constant 1073741824 : i32
    %broadcast_in_dim3A_112 = vector.broadcast %jit3A_111 : i32 to vector<1024x1024xi32>
    %select_n3A_113 = arith.select %eq3A_110, %concatenate3A, %broadcast_in_dim3A_112 : vector<1024x1024xi1>, vector<1024x1024xi32>
    %reduce_min3A_114 = arith.constant dense<2147483647> : vector<1024xi32>
    %reduce_min3A_115 = vector.multi_reduction <minsi>, %select_n3A_113, %reduce_min3A_114 [1] : vector<1024x1024xi32> to vector<1024xi32>
    %broadcast_in_dim3A_116 = vector.shape_cast %reduce_min3A_115 : vector<1024xi32> to vector<1024x1xi32>
    %eq3A_117 = vector.broadcast %broadcast_in_dim3A_116 : vector<1024x1xi32> to vector<1024x1024xi32>
    %eq3A_118 = arith.cmpi eq, %concatenate3A, %eq3A_117 : vector<1024x1024xi32>
    %jit3A_119 = arith.constant -1.000000e+30 : f32
    %broadcast_in_dim3A_120 = vector.broadcast %jit3A_119 : f32 to vector<1024x1024xf32>
    %select_n3A_121 = arith.select %eq3A_118, %broadcast_in_dim3A_120, %select_n3A_105 : vector<1024x1024xi1>, vector<1024x1024xf32>
    %reduce_max3A_122 = arith.constant dense<0xFF800000> : vector<1024xf32>
    %reduce_max3A_123 = vector.multi_reduction <maximumf>, %select_n3A_121, %reduce_max3A_122 [1] : vector<1024x1024xf32> to vector<1024xf32>
    %broadcast_in_dim3A_124 = vector.shape_cast %reduce_max3A_123 : vector<1024xf32> to vector<1024x1xf32>
    %eq3A_125 = vector.broadcast %broadcast_in_dim3A_124 : vector<1024x1xf32> to vector<1024x1024xf32>
    %eq3A_126 = arith.cmpf oeq, %select_n3A_121, %eq3A_125 : vector<1024x1024xf32>
    %jit3A_127 = arith.constant 1073741824 : i32
    %broadcast_in_dim3A_128 = vector.broadcast %jit3A_127 : i32 to vector<1024x1024xi32>
    %select_n3A_129 = arith.select %eq3A_126, %concatenate3A, %broadcast_in_dim3A_128 : vector<1024x1024xi1>, vector<1024x1024xi32>
    %reduce_min3A_130 = arith.constant dense<2147483647> : vector<1024xi32>
    %reduce_min3A_131 = vector.multi_reduction <minsi>, %select_n3A_129, %reduce_min3A_130 [1] : vector<1024x1024xi32> to vector<1024xi32>
    %broadcast_in_dim3A_132 = vector.shape_cast %reduce_min3A_131 : vector<1024xi32> to vector<1024x1xi32>
    %eq3A_133 = vector.broadcast %broadcast_in_dim3A_132 : vector<1024x1xi32> to vector<1024x1024xi32>
    %eq3A_134 = arith.cmpi eq, %concatenate3A, %eq3A_133 : vector<1024x1024xi32>
    %jit3A_135 = arith.constant -1.000000e+30 : f32
    %broadcast_in_dim3A_136 = vector.broadcast %jit3A_135 : f32 to vector<1024x1024xf32>
    %select_n3A_137 = arith.select %eq3A_134, %broadcast_in_dim3A_136, %select_n3A_121 : vector<1024x1024xi1>, vector<1024x1024xf32>
    %reduce_max3A_138 = arith.constant dense<0xFF800000> : vector<1024xf32>
    %reduce_max3A_139 = vector.multi_reduction <maximumf>, %select_n3A_137, %reduce_max3A_138 [1] : vector<1024x1024xf32> to vector<1024xf32>
    %broadcast_in_dim3A_140 = vector.shape_cast %reduce_max3A_139 : vector<1024xf32> to vector<1024x1xf32>
    %eq3A_141 = vector.broadcast %broadcast_in_dim3A_140 : vector<1024x1xf32> to vector<1024x1024xf32>
    %eq3A_142 = arith.cmpf oeq, %select_n3A_137, %eq3A_141 : vector<1024x1024xf32>
    %jit3A_143 = arith.constant 1073741824 : i32
    %broadcast_in_dim3A_144 = vector.broadcast %jit3A_143 : i32 to vector<1024x1024xi32>
    %select_n3A_145 = arith.select %eq3A_142, %concatenate3A, %broadcast_in_dim3A_144 : vector<1024x1024xi1>, vector<1024x1024xi32>
    %reduce_min3A_146 = arith.constant dense<2147483647> : vector<1024xi32>
    %reduce_min3A_147 = vector.multi_reduction <minsi>, %select_n3A_145, %reduce_min3A_146 [1] : vector<1024x1024xi32> to vector<1024xi32>
    %broadcast_in_dim3A_148 = vector.shape_cast %reduce_min3A_147 : vector<1024xi32> to vector<1024x1xi32>
    %eq3A_149 = vector.broadcast %broadcast_in_dim3A_148 : vector<1024x1xi32> to vector<1024x1024xi32>
    %eq3A_150 = arith.cmpi eq, %concatenate3A, %eq3A_149 : vector<1024x1024xi32>
    %jit3A_151 = arith.constant -1.000000e+30 : f32
    %broadcast_in_dim3A_152 = vector.broadcast %jit3A_151 : f32 to vector<1024x1024xf32>
    %select_n3A_153 = arith.select %eq3A_150, %broadcast_in_dim3A_152, %select_n3A_137 : vector<1024x1024xi1>, vector<1024x1024xf32>
    %reduce_max3A_154 = arith.constant dense<0xFF800000> : vector<1024xf32>
    %reduce_max3A_155 = vector.multi_reduction <maximumf>, %select_n3A_153, %reduce_max3A_154 [1] : vector<1024x1024xf32> to vector<1024xf32>
    %broadcast_in_dim3A_156 = vector.shape_cast %reduce_max3A_155 : vector<1024xf32> to vector<1024x1xf32>
    %eq3A_157 = vector.broadcast %broadcast_in_dim3A_156 : vector<1024x1xf32> to vector<1024x1024xf32>
    %eq3A_158 = arith.cmpf oeq, %select_n3A_153, %eq3A_157 : vector<1024x1024xf32>
    %jit3A_159 = arith.constant 1073741824 : i32
    %broadcast_in_dim3A_160 = vector.broadcast %jit3A_159 : i32 to vector<1024x1024xi32>
    %select_n3A_161 = arith.select %eq3A_158, %concatenate3A, %broadcast_in_dim3A_160 : vector<1024x1024xi1>, vector<1024x1024xi32>
    %reduce_min3A_162 = arith.constant dense<2147483647> : vector<1024xi32>
    %reduce_min3A_163 = vector.multi_reduction <minsi>, %select_n3A_161, %reduce_min3A_162 [1] : vector<1024x1024xi32> to vector<1024xi32>
    %broadcast_in_dim3A_164 = vector.shape_cast %reduce_min3A_163 : vector<1024xi32> to vector<1024x1xi32>
    %eq3A_165 = vector.broadcast %broadcast_in_dim3A_164 : vector<1024x1xi32> to vector<1024x1024xi32>
    %eq3A_166 = arith.cmpi eq, %concatenate3A, %eq3A_165 : vector<1024x1024xi32>
    %jit3A_167 = arith.constant -1.000000e+30 : f32
    %broadcast_in_dim3A_168 = vector.broadcast %jit3A_167 : f32 to vector<1024x1024xf32>
    %select_n3A_169 = arith.select %eq3A_166, %broadcast_in_dim3A_168, %select_n3A_153 : vector<1024x1024xi1>, vector<1024x1024xf32>
    %reduce_max3A_170 = arith.constant dense<0xFF800000> : vector<1024xf32>
    %reduce_max3A_171 = vector.multi_reduction <maximumf>, %select_n3A_169, %reduce_max3A_170 [1] : vector<1024x1024xf32> to vector<1024xf32>
    %broadcast_in_dim3A_172 = vector.shape_cast %reduce_max3A_171 : vector<1024xf32> to vector<1024x1xf32>
    %eq3A_173 = vector.broadcast %broadcast_in_dim3A_172 : vector<1024x1xf32> to vector<1024x1024xf32>
    %eq3A_174 = arith.cmpf oeq, %select_n3A_169, %eq3A_173 : vector<1024x1024xf32>
    %jit3A_175 = arith.constant 1073741824 : i32
    %broadcast_in_dim3A_176 = vector.broadcast %jit3A_175 : i32 to vector<1024x1024xi32>
    %select_n3A_177 = arith.select %eq3A_174, %concatenate3A, %broadcast_in_dim3A_176 : vector<1024x1024xi1>, vector<1024x1024xi32>
    %reduce_min3A_178 = arith.constant dense<2147483647> : vector<1024xi32>
    %reduce_min3A_179 = vector.multi_reduction <minsi>, %select_n3A_177, %reduce_min3A_178 [1] : vector<1024x1024xi32> to vector<1024xi32>
    %broadcast_in_dim3A_180 = vector.shape_cast %reduce_min3A_179 : vector<1024xi32> to vector<1024x1xi32>
    %eq3A_181 = vector.broadcast %broadcast_in_dim3A_180 : vector<1024x1xi32> to vector<1024x1024xi32>
    %eq3A_182 = arith.cmpi eq, %concatenate3A, %eq3A_181 : vector<1024x1024xi32>
    %jit3A_183 = arith.constant -1.000000e+30 : f32
    %broadcast_in_dim3A_184 = vector.broadcast %jit3A_183 : f32 to vector<1024x1024xf32>
    %select_n3A_185 = arith.select %eq3A_182, %broadcast_in_dim3A_184, %select_n3A_169 : vector<1024x1024xi1>, vector<1024x1024xf32>
    %reduce_max3A_186 = arith.constant dense<0xFF800000> : vector<1024xf32>
    %reduce_max3A_187 = vector.multi_reduction <maximumf>, %select_n3A_185, %reduce_max3A_186 [1] : vector<1024x1024xf32> to vector<1024xf32>
    %broadcast_in_dim3A_188 = vector.shape_cast %reduce_max3A_187 : vector<1024xf32> to vector<1024x1xf32>
    %eq3A_189 = vector.broadcast %broadcast_in_dim3A_188 : vector<1024x1xf32> to vector<1024x1024xf32>
    %eq3A_190 = arith.cmpf oeq, %select_n3A_185, %eq3A_189 : vector<1024x1024xf32>
    %jit3A_191 = arith.constant 1073741824 : i32
    %broadcast_in_dim3A_192 = vector.broadcast %jit3A_191 : i32 to vector<1024x1024xi32>
    %select_n3A_193 = arith.select %eq3A_190, %concatenate3A, %broadcast_in_dim3A_192 : vector<1024x1024xi1>, vector<1024x1024xi32>
    %reduce_min3A_194 = arith.constant dense<2147483647> : vector<1024xi32>
    %reduce_min3A_195 = vector.multi_reduction <minsi>, %select_n3A_193, %reduce_min3A_194 [1] : vector<1024x1024xi32> to vector<1024xi32>
    %broadcast_in_dim3A_196 = vector.shape_cast %reduce_min3A_195 : vector<1024xi32> to vector<1024x1xi32>
    %concatenate3A_197 = tpu.concatenate %broadcast_in_dim3A, %broadcast_in_dim3A_92, %broadcast_in_dim3A_108, %broadcast_in_dim3A_124, %broadcast_in_dim3A_140, %broadcast_in_dim3A_156, %broadcast_in_dim3A_172, %broadcast_in_dim3A_188 in 1 : vector<1024x1xf32>, vector<1024x1xf32>, vector<1024x1xf32>, vector<1024x1xf32>, vector<1024x1xf32>, vector<1024x1xf32>, vector<1024x1xf32>, vector<1024x1xf32> -> vector<1024x8xf32>
    %concatenate3A_198 = tpu.concatenate %broadcast_in_dim3A_84, %broadcast_in_dim3A_100, %broadcast_in_dim3A_116, %broadcast_in_dim3A_132, %broadcast_in_dim3A_148, %broadcast_in_dim3A_164, %broadcast_in_dim3A_180, %broadcast_in_dim3A_196 in 1 : vector<1024x1xi32>, vector<1024x1xi32>, vector<1024x1xi32>, vector<1024x1xi32>, vector<1024x1xi32>, vector<1024x1xi32>, vector<1024x1xi32>, vector<1024x1xi32> -> vector<1024x8xi32>
    %div3A = arith.constant 1.000000e-01 : f32
    %div3A_199 = vector.broadcast %div3A : f32 to vector<1024x8xf32>
    %div3A_200 = arith.divf %concatenate3A_197, %div3A_199 : vector<1024x8xf32>
    %reduce_max3A_201 = arith.constant dense<0xFF800000> : vector<1024xf32>
    %reduce_max3A_202 = vector.multi_reduction <maximumf>, %div3A_200, %reduce_max3A_201 [1] : vector<1024x8xf32> to vector<1024xf32>
    %broadcast_in_dim3A_203 = vector.shape_cast %reduce_max3A_202 : vector<1024xf32> to vector<1024x1xf32>
    %sub3A = vector.broadcast %broadcast_in_dim3A_203 : vector<1024x1xf32> to vector<1024x8xf32>
    %sub3A_204 = arith.subf %div3A_200, %sub3A : vector<1024x8xf32>
    %exp3A = math.exp %sub3A_204 : vector<1024x8xf32>
    %reduce_sum3A = arith.constant dense<0.000000e+00> : vector<1024xf32>
    %reduce_sum3A_205 = vector.multi_reduction <add>, %exp3A, %reduce_sum3A [1] : vector<1024x8xf32> to vector<1024xf32>
    %broadcast_in_dim3A_206 = vector.shape_cast %reduce_sum3A_205 : vector<1024xf32> to vector<1024x1xf32>
    %div3A_207 = vector.broadcast %broadcast_in_dim3A_206 : vector<1024x1xf32> to vector<1024x8xf32>
    %div3A_208 = arith.divf %exp3A, %div3A_207 : vector<1024x8xf32>
    %max3A = arith.constant 9.99999993E-9 : f32
    %max3A_209 = vector.broadcast %max3A : f32 to vector<1024x8xf32>
    %max3A_210 = arith.maximumf %div3A_208, %max3A_209 : vector<1024x8xf32>
    %log3A = math.log %max3A_210 : vector<1024x8xf32>
    %mul3A_211 = arith.mulf %max3A_210, %log3A : vector<1024x8xf32>
    %reduce_sum3A_212 = arith.constant dense<0.000000e+00> : vector<1024xf32>
    %reduce_sum3A_213 = vector.multi_reduction <add>, %mul3A_211, %reduce_sum3A_212 [1] : vector<1024x8xf32> to vector<1024xf32>
    %broadcast_in_dim3A_214 = vector.shape_cast %reduce_sum3A_213 : vector<1024xf32> to vector<1024x1xf32>
    %neg3A = arith.constant 0.000000e+00 : f32
    %neg3A_215 = vector.broadcast %neg3A : f32 to vector<1024x1xf32>
    %neg3A_216 = arith.subf %neg3A_215, %broadcast_in_dim3A_214 : vector<1024x1xf32>
    %log3A_217 = arith.constant 8.000000e+00 : f32
    %log3A_218 = math.log %log3A_217 : f32
    %add3A_219 = arith.constant 9.99999993E-9 : f32
    %add3A_220 = arith.addf %log3A_218, %add3A_219 : f32
    %div3A_221 = vector.broadcast %add3A_220 : f32 to vector<1024x1xf32>
    %div3A_222 = arith.divf %neg3A_216, %div3A_221 : vector<1024x1xf32>
    %sub3A_223 = arith.constant 1.000000e+00 : f32
    %sub3A_224 = vector.broadcast %sub3A_223 : f32 to vector<1024x1xf32>
    %sub3A_225 = arith.subf %sub3A_224, %div3A_222 : vector<1024x1xf32>
    %reduce_sum3A_226 = vector.shape_cast %sub3A_225 : vector<1024x1xf32> to vector<1x1024x1xf32>
    %reduce_sum3A_227 = arith.constant dense<0.000000e+00> : vector<1xf32>
    %reduce_sum3A_228 = vector.multi_reduction <add>, %reduce_sum3A_226, %reduce_sum3A_227 [1, 2] : vector<1x1024x1xf32> to vector<1xf32>
    %reduce_sum3A_229 = vector.shape_cast %reduce_sum3A_228 : vector<1xf32> to vector<1x1x1xf32>
    %reduce_sum3A_230 = vector.extract %reduce_sum3A_229[0, 0, 0] : f32 from vector<1x1x1xf32>
    %div3A_231 = arith.constant 1.024000e+03 : f32
    %div3A_232 = arith.divf %reduce_sum3A_230, %div3A_231 : f32
    %broadcast_in_dim3A_233 = arith.constant 0 : i32
    %broadcast_in_dim3A_234 = vector.broadcast %broadcast_in_dim3A_233 : i32 to vector<1024x120xi32>
    %broadcast_in_dim3A_235 = arith.constant 0.000000e+00 : f32
    %broadcast_in_dim3A_236 = vector.broadcast %broadcast_in_dim3A_235 : f32 to vector<1024x120xf32>
    %concatenate3A_237 = tpu.concatenate %concatenate3A_198, %broadcast_in_dim3A_234 in 1 : vector<1024x8xi32>, vector<1024x120xi32> -> vector<1024x128xi32>
    %swap3A = arith.constant 0 : index
    %swap3A_238 = arith.constant 0 : index
    %swap3A_239 = vector.load %arg2[%swap3A, %swap3A_238] : memref<1024x128xi32, #tpu.memory_space<vmem>>, vector<1024x128xi32>
    tpu.vector_store %arg2[%swap3A, %swap3A_238], %concatenate3A_237 {strides = array<i32>} : memref<1024x128xi32, #tpu.memory_space<vmem>>, vector<1024x128xi32>,
    %concatenate3A_240 = tpu.concatenate %div3A_208, %broadcast_in_dim3A_236 in 1 : vector<1024x8xf32>, vector<1024x120xf32> -> vector<1024x128xf32>
    %swap3A_241 = arith.constant 0 : index
    %swap3A_242 = arith.constant 0 : index
    %swap3A_243 = vector.load %arg3[%swap3A_241, %swap3A_242] : memref<1024x128xf32, #tpu.memory_space<vmem>>, vector<1024x128xf32>
    tpu.vector_store %arg3[%swap3A_241, %swap3A_242], %concatenate3A_240 {strides = array<i32>} : memref<1024x128xf32, #tpu.memory_space<vmem>>, vector<1024x128xf32>,
    %broadcast_in_dim3A_244 = vector.broadcast %div3A_232 : f32 to vector<8x128xf32>
    %swap3A_245 = arith.constant 0 : index
    %swap3A_246 = arith.constant 0 : index
    %swap3A_247 = vector.load %arg4[%swap3A_245, %swap3A_246] : memref<8x128xf32, #tpu.memory_space<vmem>>, vector<8x128xf32>
    tpu.vector_store %arg4[%swap3A_245, %swap3A_246], %broadcast_in_dim3A_244 {strides = array<i32>} : memref<8x128xf32, #tpu.memory_space<vmem>>, vector<8x128xf32>,
    return
  }
}

module attributes {stable_mosaic.version = 14 : i64} {
  func.func @_combine_body(%arg0: memref<1024x8x256xf32, #tpu.memory_space<vmem>>, %arg1: memref<1024x128xf32, #tpu.memory_space<vmem>>, %arg2: memref<1024x256xf32, #tpu.memory_space<vmem>>) attributes {dimension_semantics = [], scalar_prefetch = 0 : i64, scratch_operands = 0 : i64, tpu.core_type = #tpu.core_type<tc>} {
    %get3A = arith.constant 0 : index
    %get3A_0 = arith.constant 0 : index
    %get3A_1 = arith.constant 0 : index
    %get3A_2 = vector.load %arg0[%get3A, %get3A_0, %get3A_1] : memref<1024x8x256xf32, #tpu.memory_space<vmem>>, vector<1024x8x256xf32>
    %get3A_3 = arith.constant 0 : index
    %get3A_4 = arith.constant 0 : index
    %get3A_5 = vector.load %arg1[%get3A_3, %get3A_4] : memref<1024x128xf32, #tpu.memory_space<vmem>>, vector<1024x1xf32>
    %slice3A = vector.extract_strided_slice %get3A_2 {offsets = [0, 0, 0], sizes = [1024, 1, 256], strides = [1, 1, 1]} : vector<1024x8x256xf32> to vector<1024x1x256xf32>
    %squeeze3A = vector.shape_cast %slice3A : vector<1024x1x256xf32> to vector<1024x256xf32>
    %mul3A = vector.broadcast %get3A_5 : vector<1024x1xf32> to vector<1024x256xf32>
    %mul3A_6 = arith.mulf %mul3A, %squeeze3A : vector<1024x256xf32>
    %get3A_7 = arith.constant 0 : index
    %get3A_8 = arith.constant 1 : index
    %get3A_9 = vector.load %arg1[%get3A_7, %get3A_8] : memref<1024x128xf32, #tpu.memory_space<vmem>>, vector<1024x1xf32>
    %slice3A_10 = vector.extract_strided_slice %get3A_2 {offsets = [0, 1, 0], sizes = [1024, 1, 256], strides = [1, 1, 1]} : vector<1024x8x256xf32> to vector<1024x1x256xf32>
    %squeeze3A_11 = vector.shape_cast %slice3A_10 : vector<1024x1x256xf32> to vector<1024x256xf32>
    %mul3A_12 = vector.broadcast %get3A_9 : vector<1024x1xf32> to vector<1024x256xf32>
    %mul3A_13 = arith.mulf %mul3A_12, %squeeze3A_11 : vector<1024x256xf32>
    %add3A = arith.addf %mul3A_6, %mul3A_13 : vector<1024x256xf32>
    %get3A_14 = arith.constant 0 : index
    %get3A_15 = arith.constant 2 : index
    %get3A_16 = vector.load %arg1[%get3A_14, %get3A_15] : memref<1024x128xf32, #tpu.memory_space<vmem>>, vector<1024x1xf32>
    %slice3A_17 = vector.extract_strided_slice %get3A_2 {offsets = [0, 2, 0], sizes = [1024, 1, 256], strides = [1, 1, 1]} : vector<1024x8x256xf32> to vector<1024x1x256xf32>
    %squeeze3A_18 = vector.shape_cast %slice3A_17 : vector<1024x1x256xf32> to vector<1024x256xf32>
    %mul3A_19 = vector.broadcast %get3A_16 : vector<1024x1xf32> to vector<1024x256xf32>
    %mul3A_20 = arith.mulf %mul3A_19, %squeeze3A_18 : vector<1024x256xf32>
    %add3A_21 = arith.addf %add3A, %mul3A_20 : vector<1024x256xf32>
    %get3A_22 = arith.constant 0 : index
    %get3A_23 = arith.constant 3 : index
    %get3A_24 = vector.load %arg1[%get3A_22, %get3A_23] : memref<1024x128xf32, #tpu.memory_space<vmem>>, vector<1024x1xf32>
    %slice3A_25 = vector.extract_strided_slice %get3A_2 {offsets = [0, 3, 0], sizes = [1024, 1, 256], strides = [1, 1, 1]} : vector<1024x8x256xf32> to vector<1024x1x256xf32>
    %squeeze3A_26 = vector.shape_cast %slice3A_25 : vector<1024x1x256xf32> to vector<1024x256xf32>
    %mul3A_27 = vector.broadcast %get3A_24 : vector<1024x1xf32> to vector<1024x256xf32>
    %mul3A_28 = arith.mulf %mul3A_27, %squeeze3A_26 : vector<1024x256xf32>
    %add3A_29 = arith.addf %add3A_21, %mul3A_28 : vector<1024x256xf32>
    %get3A_30 = arith.constant 0 : index
    %get3A_31 = arith.constant 4 : index
    %get3A_32 = vector.load %arg1[%get3A_30, %get3A_31] : memref<1024x128xf32, #tpu.memory_space<vmem>>, vector<1024x1xf32>
    %slice3A_33 = vector.extract_strided_slice %get3A_2 {offsets = [0, 4, 0], sizes = [1024, 1, 256], strides = [1, 1, 1]} : vector<1024x8x256xf32> to vector<1024x1x256xf32>
    %squeeze3A_34 = vector.shape_cast %slice3A_33 : vector<1024x1x256xf32> to vector<1024x256xf32>
    %mul3A_35 = vector.broadcast %get3A_32 : vector<1024x1xf32> to vector<1024x256xf32>
    %mul3A_36 = arith.mulf %mul3A_35, %squeeze3A_34 : vector<1024x256xf32>
    %add3A_37 = arith.addf %add3A_29, %mul3A_36 : vector<1024x256xf32>
    %get3A_38 = arith.constant 0 : index
    %get3A_39 = arith.constant 5 : index
    %get3A_40 = vector.load %arg1[%get3A_38, %get3A_39] : memref<1024x128xf32, #tpu.memory_space<vmem>>, vector<1024x1xf32>
    %slice3A_41 = vector.extract_strided_slice %get3A_2 {offsets = [0, 5, 0], sizes = [1024, 1, 256], strides = [1, 1, 1]} : vector<1024x8x256xf32> to vector<1024x1x256xf32>
    %squeeze3A_42 = vector.shape_cast %slice3A_41 : vector<1024x1x256xf32> to vector<1024x256xf32>
    %mul3A_43 = vector.broadcast %get3A_40 : vector<1024x1xf32> to vector<1024x256xf32>
    %mul3A_44 = arith.mulf %mul3A_43, %squeeze3A_42 : vector<1024x256xf32>
    %add3A_45 = arith.addf %add3A_37, %mul3A_44 : vector<1024x256xf32>
    %get3A_46 = arith.constant 0 : index
    %get3A_47 = arith.constant 6 : index
    %get3A_48 = vector.load %arg1[%get3A_46, %get3A_47] : memref<1024x128xf32, #tpu.memory_space<vmem>>, vector<1024x1xf32>
    %slice3A_49 = vector.extract_strided_slice %get3A_2 {offsets = [0, 6, 0], sizes = [1024, 1, 256], strides = [1, 1, 1]} : vector<1024x8x256xf32> to vector<1024x1x256xf32>
    %squeeze3A_50 = vector.shape_cast %slice3A_49 : vector<1024x1x256xf32> to vector<1024x256xf32>
    %mul3A_51 = vector.broadcast %get3A_48 : vector<1024x1xf32> to vector<1024x256xf32>
    %mul3A_52 = arith.mulf %mul3A_51, %squeeze3A_50 : vector<1024x256xf32>
    %add3A_53 = arith.addf %add3A_45, %mul3A_52 : vector<1024x256xf32>
    %get3A_54 = arith.constant 0 : index
    %get3A_55 = arith.constant 7 : index
    %get3A_56 = vector.load %arg1[%get3A_54, %get3A_55] : memref<1024x128xf32, #tpu.memory_space<vmem>>, vector<1024x1xf32>
    %slice3A_57 = vector.extract_strided_slice %get3A_2 {offsets = [0, 7, 0], sizes = [1024, 1, 256], strides = [1, 1, 1]} : vector<1024x8x256xf32> to vector<1024x1x256xf32>
    %squeeze3A_58 = vector.shape_cast %slice3A_57 : vector<1024x1x256xf32> to vector<1024x256xf32>
    %mul3A_59 = vector.broadcast %get3A_56 : vector<1024x1xf32> to vector<1024x256xf32>
    %mul3A_60 = arith.mulf %mul3A_59, %squeeze3A_58 : vector<1024x256xf32>
    %add3A_61 = arith.addf %add3A_53, %mul3A_60 : vector<1024x256xf32>
    %swap3A = arith.constant 0 : index
    %swap3A_62 = arith.constant 0 : index
    %swap3A_63 = vector.load %arg2[%swap3A, %swap3A_62] : memref<1024x256xf32, #tpu.memory_space<vmem>>, vector<1024x256xf32>
    tpu.vector_store %arg2[%swap3A, %swap3A_62], %add3A_61 {strides = array<i32>} : memref<1024x256xf32, #tpu.memory_space<vmem>>, vector<1024x256xf32>,
    return
  }
}

</mosaic_0001>

<sc_bundles>
// kernel: kernel.11.cloned.1.call-start
scs
__scs_entry_jumppad:
0x0: {  	(pc) =	sbr.rel $0x88, $3  }
0x1: {  	(tag) =	ssettag $0x0;
	lr =	simm.s32 $0x1  }
0x2: {  	[smem:$0x3F9E] =	sst lr;
	_ =	strace $0xD0000000  }
0x3: {  	_ = 	snop  }
0x4: {  	_ = 	snop  }
0x5: {  	_ = 	snop  }
0x6: {  	_ = 	snop  }
0x7: {  	_ = 	snop  }
__scs_overlays_trampoline_lowered:
0x8: {  	[smem:$0x3FAD] =	sst s0  }
0x9: {  	[smem:$0x3FAE] =	sst s1  }
0xa: {  	[smem:$0x3FAF] =	sst s2  }
0xb: {  	[smem:$0x3FB0] =	sst s3  }
0xc: {  	[smem:$0x3FB1] =	sst s4  }
0xd: {  	[smem:$0x3FB2] =	sst s5  }
0xe: {  	[smem:$0x3FB3] =	sst s6  }
0xf: {  	[smem:$0x3FB4] =	sst s7  }
0x10: {  	[smem:$0x3FB5] =	sst s8  }
0x11: {  	[smem:$0x3FB6] =	sst s9;
	s0 =	simm.s32 @!p0 $0x0  }
0x12: {  	s1 =	sld [smem:$0x3F9C];
	s0 =	simm.s32 @p0 $0x1  }
0x13: {  	[smem:$0x3FB7] =	sst s0;
	s0 =	simm.s32 @!p1 $0x0  }
0x14: {  	s2 =	sld [smem:$0x3F9B];
	s0 =	simm.s32 @p1 $0x1  }
0x15: {  	[smem:$0x3FB8] =	sst s0;
	s0 =	simm.s32 @!p2 $0x0  }
0x16: {  	s3 =	sld [smem:$0x3FDB];
	s0 =	simm.s32 @p2 $0x1  }
0x17: {  	s4 =	simm.s32 $0x1BF5;
	[smem:$0x3FBA] =	sst s0  }
0x18: {  	s0 =	sld [smem:$0x3F9D];
	_ =	swait.ge [sflag:s4], $0x0  }
0x19: {  	s7 =	sld [smem:$0x3F9E]  }
0x1a: {  	s8 =	sadd.s32 $0xFFFFE003, lr  }
0x1b: {  	s9 =	sadd.s32 $0xFFFFFEF7, lr;
	s5 =	simm.s32 $0xFFFFFFFF;
	p2 =	slt.u32 s8, $0xFFFFF086  }
0x1c: {  	p1 =	slt.u32 s9, $0xF7A;
	s5 =	simm.s32 @!p2 $0x0  }
0x1d: {  	s5 =	simm.s32 @p1 $0x1;
	p0 =	seq.s32 s7, s2  }
0x1e: {  	s7 =	smul.u32 @!p0 $0xF7A, s2;
	p2 =	seq.s32 @!p0 s5, $0x0  }
0x1f: {  	s9 =	smul.u32 $0xF7A, s1;
	s8 =	simm.s32 @!p0 $0x1BF5;
	p2 =	por !p2, p0  }
0x20: {  	[sflag:s8] =	ssyncset.s32 @!p0 $0xFFFFF086;
	s6 =	sadd.s32 @!p0 s3, s7;
	s7 =	simm.s32 @!p0 $0x108  }
0x21: {  	s3 =	sadd.s32 s3, s9;
	s6 =	sadd.s32 @!p0 $0x88, s6;
	s7 =	simm.s32 @p2 $0x1082  }
0x22: {  	[simem:s7], [sflag:s8] =	dma.local @!p0 [hbm:s6], $0xF7A  }
0x23: {  	s9 =	sor.u32 $0xD0000000, s2;
	s6 =	simm.s32 $0x108;
	_ =	swait.ge @!p0 [sflag:s8], $0x0  }
0x24: {  	s3 =	sadd.s32 $0x88, s3;
	s6 =	simm.s32 @!p1 $0x1082;
	[sflag:s4] =	ssyncset.s32 $0xFFFFF086  }
0x25: {  	[simem:s6], [sflag:s4] =	dma.local [hbm:s3], $0xF7A  }
0x26: {  	[smem:$0x3F9E] =	sst s1;
	(tag) =	ssettag s2;
	_ =	strace s9  }
0x27: {  	s1 =	sld [smem:$0x3FAE]  }
0x28: {  	s2 =	sld [smem:$0x3FAF]  }
0x29: {  	s4 =	sld [smem:$0x3FB1]  }
0x2a: {  	p0 =	seq.s32 s5, $0x0;
	s5 =	sld [smem:$0x3FB2]  }
0x2b: {  	s6 =	sld [smem:$0x3FB3]  }
0x2c: {  	s7 =	sld [smem:$0x3FB4]  }
0x2d: {  	s3 =	simm.s32 $0x108;
	s8 =	sld [smem:$0x3FB5]  }
0x2e: {  	s3 =	simm.s32 @!p0 $0x1082;
	s9 =	sld [smem:$0x3FB6]  }
0x2f: {  	lr =	sadd.s32 s0, s3;
	s0 =	sld [smem:$0x3FAD]  }
0x30: {  	s3 =	sld [smem:$0x3FB0]  }
0x31: {  	[smem:$0x3FB9] =	sst s10  }
0x32: {  	s10 =	sld [smem:$0x3FB7];
	_ =	sdelay $0x3  }
0x33: {  	p0 =	seq.s32 s10, $0x1;
	s10 =	sld [smem:$0x3FB9];
	_ =	sdelay $0x3  }
0x34: {  	[smem:$0x3FB9] =	sst s10  }
0x35: {  	s10 =	sld [smem:$0x3FB8];
	_ =	sdelay $0x3  }
0x36: {  	p1 =	seq.s32 s10, $0x1;
	s10 =	sld [smem:$0x3FB9];
	_ =	sdelay $0x3  }
0x37: {  	[smem:$0x3FB9] =	sst s10  }
0x38: {  	s10 =	sld [smem:$0x3FBA]  }
0x39: {  	_ = 	snop;
	(pc) =	sbr.ind lr, $3  }
0x3a: {  	_ = 	snop  }
0x3b: {  	_ = 	snop  }
0x3c: {  	p2 =	seq.s32 s10, $0x1;
	s10 =	sld [smem:$0x3FB9]  }
0x3d: {  	_ =	shalt  }
0x3e: {  	_ =	shalt  }
0x3f: {  	_ =	shalt  }
0x40: {  	_ =	shalt  }
0x41: {  	_ =	shalt  }
0x42: {  	_ =	shalt  }
0x43: {  	_ =	shalt  }
0x44: {  	_ =	shalt  }
0x45: {  	_ =	shalt  }
0x46: {  	_ =	shalt  }
0x47: {  	_ =	shalt  }
0x48: {  	_ =	shalt  }
0x49: {  	_ =	shalt  }
0x4a: {  	_ =	shalt  }
0x4b: {  	_ =	shalt  }
0x4c: {  	_ =	shalt  }
0x4d: {  	_ =	shalt  }
0x4e: {  	_ =	shalt  }
0x4f: {  	_ =	shalt  }
0x50: {  	_ =	shalt  }
0x51: {  	_ =	shalt  }
0x52: {  	_ =	shalt  }
0x53: {  	_ =	shalt  }
0x54: {  	_ =	shalt  }
0x55: {  	_ =	shalt  }
0x56: {  	_ =	shalt  }
0x57: {  	_ =	shalt  }
0x58: {  	_ =	shalt  }
0x59: {  	_ =	shalt  }
0x5a: {  	_ =	shalt  }
0x5b: {  	_ =	shalt  }
0x5c: {  	_ =	shalt  }
0x5d: {  	_ =	shalt  }
0x5e: {  	_ =	shalt  }
0x5f: {  	_ =	shalt  }
0x60: {  	_ =	shalt  }
0x61: {  	_ =	shalt  }
0x62: {  	_ =	shalt  }
0x63: {  	_ =	shalt  }
0x64: {  	_ =	shalt  }
0x65: {  	_ =	shalt  }
0x66: {  	_ =	shalt  }
0x67: {  	_ =	shalt  }
0x68: {  	_ =	shalt  }
0x69: {  	_ =	shalt  }
0x6a: {  	_ =	shalt  }
0x6b: {  	_ =	shalt  }
0x6c: {  	_ =	shalt  }
0x6d: {  	_ =	shalt  }
0x6e: {  	_ =	shalt  }
0x6f: {  	_ =	shalt  }
0x70: {  	_ =	shalt  }
0x71: {  	_ =	shalt  }
0x72: {  	_ =	shalt  }
0x73: {  	_ =	shalt  }
0x74: {  	_ =	shalt  }
0x75: {  	_ =	shalt  }
0x76: {  	_ =	shalt  }
0x77: {  	_ =	shalt  }
0x78: {  	_ =	shalt  }
0x79: {  	_ =	shalt  }
0x7a: {  	_ =	shalt  }
0x7b: {  	_ =	shalt  }
0x7c: {  	_ =	shalt  }
0x7d: {  	_ =	shalt  }
0x7e: {  	_ =	shalt  }
0x7f: {  	_ =	shalt  }
0x80: {  	_ =	shalt  }
0x81: {  	_ =	shalt  }
0x82: {  	_ =	shalt  }
0x83: {  	_ =	shalt  }
0x84: {  	_ =	shalt  }
0x85: {  	_ =	shalt  }
0x86: {  	_ =	shalt  }
0x87: {  	_ =	shalt  }
.Lfunc_end0:
.L_simem_size_0:
called_computation.1_lowered:
.L_overlay_start_0:
0x88: {  	s2 =	sld [smem:$0x3FD9]  }
0x89: {  	s3 =	sld [smem:$0x3FFE];
	_ =	sdelay $0x1  }
0x8a: {  	s1 =	srdreg.scid  }
0x8b: {  	s0 =	sand.u32 $0x1, s1  }
0x8c: {  	s14 =	sshll.u32 s0, $0xA;
	s2 =	sadd.s32 s3, s2  }
0x8d: {  	s2 =	sadd.s32 s2, s14  }
0x8e: {  	[smem:$0x3FC5] =	sst s2  }
0x8f: {  	_ = 	snop  }
0x90: {  	s2 =	sld [smem:$0x3FD0];
	_ =	sdelay $0x2  }
0x91: {  	s4 =	simm.s32 $0xA;
	s5 =	simm.s32 $0x10;
	s15 =	sld [smem:$0x3FC7]  }
0x92: {  	[smem:s5], [sflag:s4] =	dma.local [hbm:s2], $0x1  }
0x93: {  	_ =	swait.eq [sflag:s4], $0x1  }
0x94: {  	[sflag:s4] =	ssyncset.done $0x0  }
0x95: {  	[sflag:s4] =	ssyncadd.s32 $0xFFFFFFFF  }
0x96: {  	s16 =	sld [smem:$0x10];
	(tm) =	ssettm $0x1  }
0x97: {  	s17 =	sld [smem:$0x3FFB];
	_ =	sdelay $0x3  }
0x98: {  	_ =	strace s17  }
0x99: {  	s4 =	sld [smem:$0x3FFC];
	_ =	sdelay $0x3  }
0x9a: {  	_ =	strace s4  }
0x9b: {  	s4 =	sld [smem:$0x3FFD];
	_ =	sdelay $0x3  }
0x9c: {  	_ =	strace s4  }
0x9d: {  	_ =	strace $0x8FFFFFFF  }
0x9e: {  	s18 =	sld [smem:$0x3FDB];
	_ =	sdelay $0x1  }
0x9f: {  	s19 =	simm.s32 $_scs_section_size  }
0xa0: {  	s6 =	simm.s32 $_size__tile_overlayer_lowered;
	s7 =	simm.s32 $_tile_overlayer_lowered  }
0xa1: {  	s22 =	simm.s32 $0x1BFF;
	s21 =	sshll.u32 s7, $0x1;
	s4 =	sadd.s32 s19, s18  }
0xa2: {  	s8 =	simm.s32 $0x0;
	s20 =	sshll.u32 s6, $0x1;
	s6 =	sadd.s32 s21, s4  }
0xa3: {  	[timem:s8], [sflag:s22] =	dma.local [hbm:s6], s20  }
0xa4: {  	_ =	swait.ge [sflag:s22], s20  }
0xa5: {  	s5 =	ssub.s32 $0x0, s20;
	[sflag:s22] =	ssyncset.done $0x0  }
0xa6: {  	[sflag:s22] =	ssyncadd.s32 s5;
	_ =	sdelay $0x1  }
0xa7: {  	s23 =	simm.s32 $0x1B8B  }
0xa8: {  	_ =	swait.ge [sflag:s23], $0x1  }
0xa9: {  	[sflag:s23] =	ssyncset.done $0x0  }
0xaa: {  	s25 =	simm.s32 $0x1B8E;
	s24 =	sld [smem:$0x3FFE];
	[sflag:s23] =	ssyncadd.s32 $0xFFFFFFFF  }
0xab: {  	s26 =	simm.s32 $execute0_lowered;
	[smem:$0x3FD2] =	sst s25  }
0xac: {  	s6 =	sshll.u32 s26, $0x1;
	_ =	strace $0x80000049;
	[dreg:$0x1] =	wrdreg $0xFFFFFFFF  }
0xad: {  	s28 =	simm.s32 $_size_execute0_lowered;
	s4 =	sadd.s32 s4, s6;
	[dreg:$0x0] =	wrdreg $0x0  }
0xae: {  	s6 =	sshll.u32 s28, $0x1;
	[dreg:$0x2] =	wrdreg s4  }
0xaf: {  	[dreg:$0x3] =	wrdreg s6  }
0xb0: {  	[dreg:$0x4] =	wrdreg $0xC0  }
0xb1: {  	_ =	task [dreg:s8], $0x5FFFF  }
0xb2: {  	[dreg:$0x1] =	wrdreg $0xFFFFFFFF  }
0xb3: {  	[dreg:$0x0] =	wrdreg $0x60  }
0xb4: {  	[dreg:$0x2] =	wrdreg s15  }
0xb5: {  	[dreg:$0x3] =	wrdreg s16  }
0xb6: {  	[dreg:$0x4] =	wrdreg s24  }
0xb7: {  	[dreg:$0x5] =	wrdreg $0x9  }
0xb8: {  	_ =	task.clear_ibuf [dreg:s8], $0x6FFFF;
	_ =	strace $0x90000049  }
0xb9: {  	s29 =	simm.s32 $0x9;
	_ =	strace $0x8000004B  }
0xba: {  	_ =	swait.ge [sflag:s29], $0x1  }
0xbb: {  	[sflag:s29] =	ssyncadd.s32 $0xFFFFFFFF  }
0xbc: {  	_ =	strace $0x9000004B  }
0xbd: {  	_ =	sfence  }
0xbe: {  	s30 =	sld [smem:$0x0];
	_ =	sdelay $0x2  }
0xbf: {  	s31 =	sshll.u32 s1, $0xD;
	s1 =	sshrl.u32 s1, $0x2  }
0xc0: {  	s3 =	sand.u32 $0x4000, s31;
	s1 =	sadd.s32 s1, s30  }
0xc1: {  	s0 =	sor.u32 s3, s0;
	s1 =	sshll.u32 s1, $0x11  }
0xc2: {  	s0 =	sor.u32 s1, s0  }
0xc3: {  	s0 =	sadd.s32 $0x8F2B, s0  }
0xc4: {  	[sflag:s0] =	ssyncadd.remote.s32 $0x1  }
0xc5: {  	_ =	sfence.sel $0xFFFF  }
0xc6: {  	[dreg:$0x0] =	wrdreg $0xFFFFFFFF;
	(pc) =	sbr.abs _section_cstart, $3  }
0xc7: {  	[dreg:$0x1] =	wrdreg $0xFFFFFFFF  }
0xc8: {  	_ =	task.clear_ibuf [dreg:s8], $0x2FFFF;
	_ =	strace $0x9FFFFFFF  }
0xc9: {  	(tm) =	ssettm $0x7FFFFFFF  }
tec
execute0_lowered:
.L_overlay_start_1:
0x0: {  	(tag) =	ssettag $0x1  }
0x1: {  	s1 =	rddreg [dreg:$0x0]  }
0x2: {  	s2 =	rddreg [dreg:$0x1];
	s3 =	srdreg.scid  }
0x3: {  	s0 =	stileid.u32;
	s4 =	rddreg [dreg:$0x2]  }
0x4: {  	s19 =	simm.s32 $0x900;
	s20 =	simm.s32 $0x1100;
	s22 =	simm.s32 $0x1900  }
0x5: {  	s23 =	simm.s32 $0x2100;
	s24 =	simm.s32 $0x2900;
	s25 =	simm.s32 $0x3100  }
0x6: {  	s26 =	simm.s32 $0x3900;
	s8 =	simm.s32 $0x4900;
	s9 =	simm.s32 $0x5100  }
0x7: {  	s10 =	simm.s32 $0x5900;
	s11 =	simm.s32 $0x6100;
	s12 =	simm.s32 $0x6900  }
0x8: {  	s13 =	simm.s32 $0x7100;
	s5 =	sand.u32 $0x1, s3;
	s3 =	simm.s32 $0x0  }
0x9: {  	s14 =	simm.s32 $0x7900;
	s15 =	simm.s32 $0x8100;
	[smem:$0x7FF] =	sst s3  }
0xa: {  	s16 =	simm.s32 $0x8900;
	_ =	strace $0x8000004A;
	[dreg:$0x6] =	wrdreg s19  }
0xb: {  	s17 =	simm.s32 $0x9100;
	s28 =	simm.s32 $0xE100;
	[dreg:$0x7] =	wrdreg s20  }
0xc: {  	s29 =	simm.s32 $0xE900;
	s30 =	simm.s32 $0xF100;
	[dreg:$0x8] =	wrdreg s22  }
0xd: {  	s31 =	simm.s32 $0xF900;
	s6 =	sshll.u32 s0, $0x1;
	[dreg:$0x9] =	wrdreg s23  }
0xe: {  	s6 =	sor.u32 s5, s6;
	s21 =	ssub.s32 $0x2, s5;
	[dreg:$0xa] =	wrdreg s24  }
0xf: {  	s7 =	sshll.u32 s6, $0xD;
	s6 =	sshll.u32 s6, $0x5;
	[dreg:$0xb] =	wrdreg s25  }
0x10: {  	s5 =	sshrl.u32 s21, $0x1;
	[dreg:$0xc] =	wrdreg s26;
	s19 =	simm.s32 $0xA100  }
0x11: {  	s20 =	simm.s32 $0xA900;
	s22 =	simm.s32 $0xB900;
	s23 =	simm.s32 $0xC100  }
0x12: {  	s24 =	simm.s32 $0xC900;
	s25 =	simm.s32 $0xD100;
	s26 =	simm.s32 $0xD900  }
0x13: {  	s4 =	sadd.s32 s7, s4;
	s2 =	sadd.s32 s2, s6;
	s6 =	simm.s32 $0x100  }
0x14: {  	v2 =	vlaneseq.u32;
	[dreg:$0x4] =	wrdreg s2;
	s18 =	sadd.s32 $0x28600, s4;
	s4 =	ssub.s32 s21, s5  }
0x15: {  	vm0 =	vmmov $0xffff;
	v1 =	vshrl.u32 v2, $0x3;
	s5 =	simm.s32 $0x2;
	s21 =	simm.s32 $0xB100;
	s2 =	simm.s32 $0x1  }
0x16: {  	v0 =	vand.u32 $0x7, v2;
	v2 =	vor.u32 $0x8, v2;
	v1 =	vmul.u32 $0x8, v1;
	[dreg:$0x5] =	wrdreg s18;
	s4 =	smax.u32 s4, $0x1;
	s18 =	simm.s32 $0x9900  }
.LBB2_1:
0x17: {  	s0 =	rddreg [dreg:$0x4]  }
0x18: {  	[tilespmem:s3], [sflag:$0x2] =	stream.linear.gather [hbm4b:s0+s3], $0x100, $0x38;
	[tilespmem:$0x10100] =	vst v63  }
0x19: {  	_ =	swait.ge [sflag:s5], $0x100  }
0x1a: {  	[sflag:s5] =	ssyncset.done $0x0  }
0x1b: {  	[sflag:s5] =	ssyncadd.s32 $0xFFFFFF00  }
0x1c: {  	v3 =	vld [tilespmem:$0x0];
	_ =	sdelay $0x4  }
0x1d: {  	v4 =	vshll.u32 v3, $0x1  }
0x1e: {  	v3 =	vand.u32 $0x7, v3;
	v4 =	vand.u32 $0xFFFFFFF0, v4  }
0x1f: {  	v3 =	vor.u32 v3, v4  }
0x20: {  	v4 =	vperm.xlane v3, v0;
	_ =	sdelay $0x1  }
0x21: {  	v3 =	vperm.xlane v3, v2;
	v4 =	vadd.s32 v1, v4;
	_ =	sdelay $0x1  }
0x22: {  	v3 =	vadd.s32 v1, v3;
	_ =	sdelay $0x2  }
0x23: {  	[tilespmem:s6], [sflag:$0x1] =	stream.indirect_vreg.gather [hbm4b:s1+s3], $0x80, v4, vm0, $0xb8;
	[tilespmem:$0x10100] =	vst v63  }
0x24: {  	s7 =	rddreg [dreg:$0x6]  }
0x25: {  	[tilespmem:s7], [sflag:$0x1] =	stream.indirect_vreg.gather [hbm4b:s1+s3], $0x80, v3, vm0, $0xb8;
	[tilespmem:$0x10100] =	vst v63  }
0x26: {  	v3 =	vld [tilespmem:$0x10];
	_ =	sdelay $0x4  }
0x27: {  	v49 =	vshll.u32 v3, $0x1  }
0x28: {  	v3 =	vand.u32 $0x7, v3;
	v4 =	vand.u32 $0xFFFFFFF0, v49  }
0x29: {  	v3 =	vor.u32 v3, v4  }
0x2a: {  	v4 =	vperm.xlane v3, v0;
	_ =	sdelay $0x1  }
0x2b: {  	v3 =	vperm.xlane v3, v2;
	v4 =	vadd.s32 v1, v4;
	_ =	sdelay $0x1  }
0x2c: {  	v3 =	vadd.s32 v1, v3;
	_ =	sdelay $0x1  }
0x2d: {  	s0 =	rddreg [dreg:$0x7]  }
0x2e: {  	[tilespmem:s0], [sflag:$0x1] =	stream.indirect_vreg.gather [hbm4b:s1+s3], $0x80, v4, vm0, $0xb8;
	[tilespmem:$0x10100] =	vst v63  }
0x2f: {  	s7 =	rddreg [dreg:$0x8]  }
0x30: {  	[tilespmem:s7], [sflag:$0x1] =	stream.indirect_vreg.gather [hbm4b:s1+s3], $0x80, v3, vm0, $0xb8;
	[tilespmem:$0x10100] =	vst v63  }
0x31: {  	v3 =	vld [tilespmem:$0x20];
	_ =	sdelay $0x4  }
0x32: {  	v50 =	vshll.u32 v3, $0x1  }
0x33: {  	v3 =	vand.u32 $0x7, v3;
	v4 =	vand.u32 $0xFFFFFFF0, v50  }
0x34: {  	v3 =	vor.u32 v3, v4  }
0x35: {  	v4 =	vperm.xlane v3, v0;
	_ =	sdelay $0x1  }
0x36: {  	v3 =	vperm.xlane v3, v2;
	v4 =	vadd.s32 v1, v4;
	_ =	sdelay $0x1  }
0x37: {  	v3 =	vadd.s32 v1, v3;
	_ =	sdelay $0x1  }
0x38: {  	s0 =	rddreg [dreg:$0x9]  }
0x39: {  	[tilespmem:s0], [sflag:$0x1] =	stream.indirect_vreg.gather [hbm4b:s1+s3], $0x80, v4, vm0, $0xb8;
	[tilespmem:$0x10100] =	vst v63  }
0x3a: {  	s7 =	rddreg [dreg:$0xa]  }
0x3b: {  	[tilespmem:s7], [sflag:$0x1] =	stream.indirect_vreg.gather [hbm4b:s1+s3], $0x80, v3, vm0, $0xb8;
	[tilespmem:$0x10100] =	vst v63  }
0x3c: {  	v3 =	vld [tilespmem:$0x30];
	_ =	sdelay $0x4  }
0x3d: {  	v51 =	vshll.u32 v3, $0x1  }
0x3e: {  	v3 =	vand.u32 $0x7, v3;
	v4 =	vand.u32 $0xFFFFFFF0, v51  }
0x3f: {  	v3 =	vor.u32 v3, v4  }
0x40: {  	v4 =	vperm.xlane v3, v0;
	_ =	sdelay $0x1  }
0x41: {  	v3 =	vperm.xlane v3, v2;
	v4 =	vadd.s32 v1, v4;
	_ =	sdelay $0x1  }
0x42: {  	v3 =	vadd.s32 v1, v3;
	_ =	sdelay $0x1  }
0x43: {  	s0 =	rddreg [dreg:$0xb]  }
0x44: {  	[tilespmem:s0], [sflag:$0x1] =	stream.indirect_vreg.gather [hbm4b:s1+s3], $0x80, v4, vm0, $0xb8;
	[tilespmem:$0x10100] =	vst v63  }
0x45: {  	s7 =	rddreg [dreg:$0xc]  }
0x46: {  	[tilespmem:s7], [sflag:$0x1] =	stream.indirect_vreg.gather [hbm4b:s1+s3], $0x80, v3, vm0, $0xb8;
	[tilespmem:$0x10100] =	vst v63  }
0x47: {  	v3 =	vld [tilespmem:$0x40];
	_ =	sdelay $0x4  }
0x48: {  	v52 =	vshll.u32 v3, $0x1  }
0x49: {  	v3 =	vand.u32 $0x7, v3;
	v4 =	vand.u32 $0xFFFFFFF0, v52  }
0x4a: {  	v3 =	vor.u32 v3, v4  }
0x4b: {  	v4 =	vperm.xlane v3, v0;
	_ =	sdelay $0x1  }
0x4c: {  	v3 =	vperm.xlane v3, v2;
	v4 =	vadd.s32 v1, v4;
	_ =	sdelay $0x1  }
0x4d: {  	v3 =	vadd.s32 v1, v3;
	_ =	sdelay $0x1  }
0x4e: {  	s7 =	simm.s32 $0x4100  }
0x4f: {  	[tilespmem:s7], [sflag:$0x1] =	stream.indirect_vreg.gather [hbm4b:s1+s3], $0x80, v4, vm0, $0xb8;
	[tilespmem:$0x10100] =	vst v63  }
0x50: {  	_ = 	snop  }
0x51: {  	[tilespmem:s8], [sflag:$0x1] =	stream.indirect_vreg.gather [hbm4b:s1+s3], $0x80, v3, vm0, $0xb8;
	[tilespmem:$0x10100] =	vst v63  }
0x52: {  	v3 =	vld [tilespmem:$0x50];
	_ =	sdelay $0x4  }
0x53: {  	v53 =	vshll.u32 v3, $0x1  }
0x54: {  	v3 =	vand.u32 $0x7, v3;
	v4 =	vand.u32 $0xFFFFFFF0, v53  }
0x55: {  	v3 =	vor.u32 v3, v4  }
0x56: {  	v4 =	vperm.xlane v3, v0;
	_ =	sdelay $0x1  }
0x57: {  	v3 =	vperm.xlane v3, v2;
	v4 =	vadd.s32 v1, v4;
	_ =	sdelay $0x1  }
0x58: {  	v3 =	vadd.s32 v1, v3;
	_ =	sdelay $0x2  }
0x59: {  	[tilespmem:s9], [sflag:$0x1] =	stream.indirect_vreg.gather [hbm4b:s1+s3], $0x80, v4, vm0, $0xb8;
	[tilespmem:$0x10100] =	vst v63  }
0x5a: {  	_ = 	snop  }
0x5b: {  	[tilespmem:s10], [sflag:$0x1] =	stream.indirect_vreg.gather [hbm4b:s1+s3], $0x80, v3, vm0, $0xb8;
	[tilespmem:$0x10100] =	vst v63  }
0x5c: {  	v3 =	vld [tilespmem:$0x60];
	_ =	sdelay $0x4  }
0x5d: {  	v54 =	vshll.u32 v3, $0x1  }
0x5e: {  	v3 =	vand.u32 $0x7, v3;
	v4 =	vand.u32 $0xFFFFFFF0, v54  }
0x5f: {  	v3 =	vor.u32 v3, v4  }
0x60: {  	v4 =	vperm.xlane v3, v0;
	_ =	sdelay $0x1  }
0x61: {  	v3 =	vperm.xlane v3, v2;
	v4 =	vadd.s32 v1, v4;
	_ =	sdelay $0x1  }
0x62: {  	v3 =	vadd.s32 v1, v3;
	_ =	sdelay $0x2  }
0x63: {  	[tilespmem:s11], [sflag:$0x1] =	stream.indirect_vreg.gather [hbm4b:s1+s3], $0x80, v4, vm0, $0xb8;
	[tilespmem:$0x10100] =	vst v63  }
0x64: {  	_ = 	snop  }
0x65: {  	[tilespmem:s12], [sflag:$0x1] =	stream.indirect_vreg.gather [hbm4b:s1+s3], $0x80, v3, vm0, $0xb8;
	[tilespmem:$0x10100] =	vst v63  }
0x66: {  	v3 =	vld [tilespmem:$0x70];
	_ =	sdelay $0x4  }
0x67: {  	v55 =	vshll.u32 v3, $0x1  }
0x68: {  	v3 =	vand.u32 $0x7, v3;
	v4 =	vand.u32 $0xFFFFFFF0, v55  }
0x69: {  	v3 =	vor.u32 v3, v4  }
0x6a: {  	v4 =	vperm.xlane v3, v0;
	_ =	sdelay $0x1  }
0x6b: {  	v3 =	vperm.xlane v3, v2;
	v4 =	vadd.s32 v1, v4;
	_ =	sdelay $0x1  }
0x6c: {  	v3 =	vadd.s32 v1, v3;
	_ =	sdelay $0x2  }
0x6d: {  	[tilespmem:s13], [sflag:$0x1] =	stream.indirect_vreg.gather [hbm4b:s1+s3], $0x80, v4, vm0, $0xb8;
	[tilespmem:$0x10100] =	vst v63  }
0x6e: {  	_ = 	snop  }
0x6f: {  	[tilespmem:s14], [sflag:$0x1] =	stream.indirect_vreg.gather [hbm4b:s1+s3], $0x80, v3, vm0, $0xb8;
	[tilespmem:$0x10100] =	vst v63  }
0x70: {  	v3 =	vld [tilespmem:$0x80];
	_ =	sdelay $0x4  }
0x71: {  	v56 =	vshll.u32 v3, $0x1  }
0x72: {  	v3 =	vand.u32 $0x7, v3;
	v4 =	vand.u32 $0xFFFFFFF0, v56  }
0x73: {  	v3 =	vor.u32 v3, v4  }
0x74: {  	v4 =	vperm.xlane v3, v0;
	_ =	sdelay $0x1  }
0x75: {  	v3 =	vperm.xlane v3, v2;
	v4 =	vadd.s32 v1, v4;
	_ =	sdelay $0x1  }
0x76: {  	v3 =	vadd.s32 v1, v3;
	_ =	sdelay $0x2  }
0x77: {  	[tilespmem:s15], [sflag:$0x1] =	stream.indirect_vreg.gather [hbm4b:s1+s3], $0x80, v4, vm0, $0xb8;
	[tilespmem:$0x10100] =	vst v63  }
0x78: {  	_ = 	snop  }
0x79: {  	[tilespmem:s16], [sflag:$0x1] =	stream.indirect_vreg.gather [hbm4b:s1+s3], $0x80, v3, vm0, $0xb8;
	[tilespmem:$0x10100] =	vst v63  }
0x7a: {  	v3 =	vld [tilespmem:$0x90];
	_ =	sdelay $0x4  }
0x7b: {  	v57 =	vshll.u32 v3, $0x1  }
0x7c: {  	v3 =	vand.u32 $0x7, v3;
	v4 =	vand.u32 $0xFFFFFFF0, v57  }
0x7d: {  	v3 =	vor.u32 v3, v4  }
0x7e: {  	v4 =	vperm.xlane v3, v0;
	_ =	sdelay $0x1  }
0x7f: {  	v3 =	vperm.xlane v3, v2;
	v4 =	vadd.s32 v1, v4;
	_ =	sdelay $0x1  }
0x80: {  	v3 =	vadd.s32 v1, v3;
	_ =	sdelay $0x2  }
0x81: {  	[tilespmem:s17], [sflag:$0x1] =	stream.indirect_vreg.gather [hbm4b:s1+s3], $0x80, v4, vm0, $0xb8;
	[tilespmem:$0x10100] =	vst v63  }
0x82: {  	_ = 	snop  }
0x83: {  	[tilespmem:s18], [sflag:$0x1] =	stream.indirect_vreg.gather [hbm4b:s1+s3], $0x80, v3, vm0, $0xb8;
	[tilespmem:$0x10100] =	vst v63  }
0x84: {  	v3 =	vld [tilespmem:$0xA0];
	_ =	sdelay $0x4  }
0x85: {  	v58 =	vshll.u32 v3, $0x1  }
0x86: {  	v3 =	vand.u32 $0x7, v3;
	v4 =	vand.u32 $0xFFFFFFF0, v58  }
0x87: {  	v3 =	vor.u32 v3, v4  }
0x88: {  	v4 =	vperm.xlane v3, v0;
	_ =	sdelay $0x1  }
0x89: {  	v3 =	vperm.xlane v3, v2;
	v4 =	vadd.s32 v1, v4;
	_ =	sdelay $0x1  }
0x8a: {  	v3 =	vadd.s32 v1, v3;
	_ =	sdelay $0x2  }
0x8b: {  	[tilespmem:s19], [sflag:$0x1] =	stream.indirect_vreg.gather [hbm4b:s1+s3], $0x80, v4, vm0, $0xb8;
	[tilespmem:$0x10100] =	vst v63  }
0x8c: {  	_ = 	snop  }
0x8d: {  	[tilespmem:s20], [sflag:$0x1] =	stream.indirect_vreg.gather [hbm4b:s1+s3], $0x80, v3, vm0, $0xb8;
	[tilespmem:$0x10100] =	vst v63  }
0x8e: {  	v3 =	vld [tilespmem:$0xB0];
	_ =	sdelay $0x4  }
0x8f: {  	v59 =	vshll.u32 v3, $0x1  }
0x90: {  	v3 =	vand.u32 $0x7, v3;
	v4 =	vand.u32 $0xFFFFFFF0, v59  }
0x91: {  	v3 =	vor.u32 v3, v4  }
0x92: {  	v4 =	vperm.xlane v3, v0;
	_ =	sdelay $0x1  }
0x93: {  	v3 =	vperm.xlane v3, v2;
	v4 =	vadd.s32 v1, v4;
	_ =	sdelay $0x1  }
0x94: {  	v3 =	vadd.s32 v1, v3;
	_ =	sdelay $0x2  }
0x95: {  	[tilespmem:s21], [sflag:$0x1] =	stream.indirect_vreg.gather [hbm4b:s1+s3], $0x80, v4, vm0, $0xb8;
	[tilespmem:$0x10100] =	vst v63  }
0x96: {  	_ = 	snop  }
0x97: {  	[tilespmem:s22], [sflag:$0x1] =	stream.indirect_vreg.gather [hbm4b:s1+s3], $0x80, v3, vm0, $0xb8;
	[tilespmem:$0x10100] =	vst v63  }
0x98: {  	v3 =	vld [tilespmem:$0xC0];
	_ =	sdelay $0x4  }
0x99: {  	v60 =	vshll.u32 v3, $0x1  }
0x9a: {  	v3 =	vand.u32 $0x7, v3;
	v4 =	vand.u32 $0xFFFFFFF0, v60  }
0x9b: {  	v3 =	vor.u32 v3, v4  }
0x9c: {  	v4 =	vperm.xlane v3, v0;
	_ =	sdelay $0x1  }
0x9d: {  	v3 =	vperm.xlane v3, v2;
	v4 =	vadd.s32 v1, v4;
	_ =	sdelay $0x1  }
0x9e: {  	v3 =	vadd.s32 v1, v3;
	_ =	sdelay $0x2  }
0x9f: {  	[tilespmem:s23], [sflag:$0x1] =	stream.indirect_vreg.gather [hbm4b:s1+s3], $0x80, v4, vm0, $0xb8;
	[tilespmem:$0x10100] =	vst v63  }
0xa0: {  	_ = 	snop  }
0xa1: {  	[tilespmem:s24], [sflag:$0x1] =	stream.indirect_vreg.gather [hbm4b:s1+s3], $0x80, v3, vm0, $0xb8;
	[tilespmem:$0x10100] =	vst v63  }
0xa2: {  	v3 =	vld [tilespmem:$0xD0];
	_ =	sdelay $0x4  }
0xa3: {  	v61 =	vshll.u32 v3, $0x1  }
0xa4: {  	v3 =	vand.u32 $0x7, v3;
	v4 =	vand.u32 $0xFFFFFFF0, v61  }
0xa5: {  	v3 =	vor.u32 v3, v4  }
0xa6: {  	v4 =	vperm.xlane v3, v0;
	_ =	sdelay $0x1  }
0xa7: {  	v3 =	vperm.xlane v3, v2;
	v4 =	vadd.s32 v1, v4;
	_ =	sdelay $0x1  }
0xa8: {  	v3 =	vadd.s32 v1, v3;
	_ =	sdelay $0x2  }
0xa9: {  	[tilespmem:s25], [sflag:$0x1] =	stream.indirect_vreg.gather [hbm4b:s1+s3], $0x80, v4, vm0, $0xb8;
	[tilespmem:$0x10100] =	vst v63  }
0xaa: {  	_ = 	snop  }
0xab: {  	[tilespmem:s26], [sflag:$0x1] =	stream.indirect_vreg.gather [hbm4b:s1+s3], $0x80, v3, vm0, $0xb8;
	[tilespmem:$0x10100] =	vst v63  }
0xac: {  	v3 =	vld [tilespmem:$0xE0];
	_ =	sdelay $0x4  }
0xad: {  	v62 =	vshll.u32 v3, $0x1  }
0xae: {  	v3 =	vand.u32 $0x7, v3;
	v4 =	vand.u32 $0xFFFFFFF0, v62  }
0xaf: {  	v3 =	vor.u32 v3, v4  }
0xb0: {  	v4 =	vperm.xlane v3, v0;
	_ =	sdelay $0x1  }
0xb1: {  	v3 =	vperm.xlane v3, v2;
	v4 =	vadd.s32 v1, v4;
	_ =	sdelay $0x1  }
0xb2: {  	v3 =	vadd.s32 v1, v3;
	_ =	sdelay $0x2  }
0xb3: {  	[tilespmem:s28], [sflag:$0x1] =	stream.indirect_vreg.gather [hbm4b:s1+s3], $0x80, v4, vm0, $0xb8;
	[tilespmem:$0x10100] =	vst v63  }
0xb4: {  	_ = 	snop  }
0xb5: {  	[tilespmem:s29], [sflag:$0x1] =	stream.indirect_vreg.gather [hbm4b:s1+s3], $0x80, v3, vm0, $0xb8;
	[tilespmem:$0x10100] =	vst v63  }
0xb6: {  	v3 =	vld [tilespmem:$0xF0];
	_ =	sdelay $0x4  }
0xb7: {  	v63 =	vshll.u32 v3, $0x1  }
0xb8: {  	v3 =	vand.u32 $0x7, v3;
	v4 =	vand.u32 $0xFFFFFFF0, v63  }
0xb9: {  	v3 =	vor.u32 v3, v4  }
0xba: {  	v4 =	vperm.xlane v3, v0;
	_ =	sdelay $0x1  }
0xbb: {  	v3 =	vperm.xlane v3, v2;
	v4 =	vadd.s32 v1, v4;
	_ =	sdelay $0x1  }
0xbc: {  	v3 =	vadd.s32 v1, v3;
	_ =	sdelay $0x2  }
0xbd: {  	[tilespmem:s30], [sflag:$0x1] =	stream.indirect_vreg.gather [hbm4b:s1+s3], $0x80, v4, vm0, $0xb8;
	[tilespmem:$0x10100] =	vst v63  }
0xbe: {  	_ = 	snop  }
0xbf: {  	[tilespmem:s31], [sflag:$0x1] =	stream.indirect_vreg.gather [hbm4b:s1+s3], $0x80, v3, vm0, $0xb8;
	[tilespmem:$0x10100] =	vst v63  }
0xc0: {  	_ =	swait.ge [sflag:s2], $0x8000  }
0xc1: {  	[sflag:s2] =	ssyncset.done $0x0  }
0xc2: {  	[sflag:s2] =	ssyncadd.s32 $0xFFFF8000  }
0xc3: {  	_ =	swait.ge [sflag:s2], $0x8000  }
0xc4: {  	p0 =	sne.s32 s4, $0x1;
	[sflag:s2] =	ssyncset.done $0x0  }
.Ltmp0:
0xc5: {  	s7 =	rddreg [dreg:$0x5];
	[sflag:s2] =	ssyncadd.s32 $0xFFFF8000;
	(pc) =	sbr.rel @p0 .LBB2_1-.Ltmp0, $4  }
0xc6: {  	[hbm4b:s7+s3] =	stream.linear.scatter [tilespmem:s6], [sflag:$0x2], $0x10000, $0x38;
	[tilespmem:$0x10100] =	vst v63  }
0xc7: {  	_ =	swait.ge [sflag:s5], $0x10000  }
0xc8: {  	[sflag:s5] =	ssyncset.done $0x0  }
0xc9: {  	s4 =	sadd.s32 $0xFFFFFFFF, s4;
	[sflag:s5] =	ssyncadd.s32 $0xFFFF0000  }
0xca: {  	_ =	sfence.sel $0x180000  }
0xcb: {  	[bflag:$0x0] =	sbarrier.arrive $0xFFFF  }
0xcc: {  	_ =	strace $0x9000004A  }
0xcd: {  	s0 =	stileid.u32;
	[bflag:$0x2] =	sbarrier.arrive $0xFFFF  }
0xce: {  	p0 =	sne.s32 s0, $0x0;
	s0 =	rddreg [dreg:$0x3]  }
0xcf: {  	s0 =	sadd.s32 @!p0 $0x100000, s0  }
0xd0: {  	[sflag:s0] =	ssyncadd.tile.s32 @!p0 $0x1;
	_ =	shalt  }
.Lfunc_end2:
_tile_overlayer_lowered:
.L_overlay_start_2:
0xd1: {  	(tag) =	ssettag $0x2  }
0xd2: {  	s0 =	rddreg [dreg:$0x0];
	s2 =	stileid.u32  }
0xd3: {  	s1 =	rddreg [dreg:$0x1];
	p0 =	sne.s32 s2, $0x0  }
0xd4: {  	s3 =	rddreg [dreg:$0x2];
	[bflag:$0x3] =	sbarrier.arrive $0xFFFF;
	s2 =	simm.s32 @!p0 $0x1C02  }
0xd5: {  	[timem:s3], [sflag:s2] =	dma.local @!p0 [hbm:s0], s1  }
0xd6: {  	s0 =	simm.s32 @!p0 $0x2  }
0xd7: {  	_ =	swait.ge @!p0 [sflag:s0], s1  }
0xd8: {  	s1 =	ssub.s32 @!p0 $0x0, s1;
	[sflag:s0] =	ssyncset.done @!p0 $0x0  }
0xd9: {  	[sflag:s0] =	ssyncadd.s32 @!p0 s1  }
0xda: {  	[bflag:$0x3] =	sbarrier.arrive $0xFFFF  }
0xdb: {  	_ =	shalt  }

// kernel: kernel.8.cloned.1.call-start
scs
__scs_entry_jumppad:
0x0: {  	(pc) =	sbr.rel $0x88, $3  }
0x1: {  	(tag) =	ssettag $0x0;
	lr =	simm.s32 $0x1  }
0x2: {  	[smem:$0x3F9E] =	sst lr;
	_ =	strace $0xD0000000  }
0x3: {  	_ = 	snop  }
0x4: {  	_ = 	snop  }
0x5: {  	_ = 	snop  }
0x6: {  	_ = 	snop  }
0x7: {  	_ = 	snop  }
__scs_overlays_trampoline_lowered:
0x8: {  	[smem:$0x3FAD] =	sst s0  }
0x9: {  	[smem:$0x3FAE] =	sst s1  }
0xa: {  	[smem:$0x3FAF] =	sst s2  }
0xb: {  	[smem:$0x3FB0] =	sst s3  }
0xc: {  	[smem:$0x3FB1] =	sst s4  }
0xd: {  	[smem:$0x3FB2] =	sst s5  }
0xe: {  	[smem:$0x3FB3] =	sst s6  }
0xf: {  	[smem:$0x3FB4] =	sst s7  }
0x10: {  	[smem:$0x3FB5] =	sst s8  }
0x11: {  	[smem:$0x3FB6] =	sst s9;
	s0 =	simm.s32 @!p0 $0x0  }
0x12: {  	s1 =	sld [smem:$0x3F9C];
	s0 =	simm.s32 @p0 $0x1  }
0x13: {  	[smem:$0x3FB7] =	sst s0;
	s0 =	simm.s32 @!p1 $0x0  }
0x14: {  	s2 =	sld [smem:$0x3F9B];
	s0 =	simm.s32 @p1 $0x1  }
0x15: {  	[smem:$0x3FB8] =	sst s0;
	s0 =	simm.s32 @!p2 $0x0  }
0x16: {  	s3 =	sld [smem:$0x3FDB];
	s0 =	simm.s32 @p2 $0x1  }
0x17: {  	s4 =	simm.s32 $0x1BF5;
	[smem:$0x3FBA] =	sst s0  }
0x18: {  	s0 =	sld [smem:$0x3F9D];
	_ =	swait.ge [sflag:s4], $0x0  }
0x19: {  	s7 =	sld [smem:$0x3F9E]  }
0x1a: {  	s8 =	sadd.s32 $0xFFFFE003, lr  }
0x1b: {  	s9 =	sadd.s32 $0xFFFFFEF7, lr;
	s5 =	simm.s32 $0xFFFFFFFF;
	p2 =	slt.u32 s8, $0xFFFFF086  }
0x1c: {  	p1 =	slt.u32 s9, $0xF7A;
	s5 =	simm.s32 @!p2 $0x0  }
0x1d: {  	s5 =	simm.s32 @p1 $0x1;
	p0 =	seq.s32 s7, s2  }
0x1e: {  	s7 =	smul.u32 @!p0 $0xF7A, s2;
	p2 =	seq.s32 @!p0 s5, $0x0  }
0x1f: {  	s9 =	smul.u32 $0xF7A, s1;
	s8 =	simm.s32 @!p0 $0x1BF5;
	p2 =	por !p2, p0  }
0x20: {  	[sflag:s8] =	ssyncset.s32 @!p0 $0xFFFFF086;
	s6 =	sadd.s32 @!p0 s3, s7;
	s7 =	simm.s32 @!p0 $0x108  }
0x21: {  	s3 =	sadd.s32 s3, s9;
	s6 =	sadd.s32 @!p0 $0x88, s6;
	s7 =	simm.s32 @p2 $0x1082  }
0x22: {  	[simem:s7], [sflag:s8] =	dma.local @!p0 [hbm:s6], $0xF7A  }
0x23: {  	s9 =	sor.u32 $0xD0000000, s2;
	s6 =	simm.s32 $0x108;
	_ =	swait.ge @!p0 [sflag:s8], $0x0  }
0x24: {  	s3 =	sadd.s32 $0x88, s3;
	s6 =	simm.s32 @!p1 $0x1082;
	[sflag:s4] =	ssyncset.s32 $0xFFFFF086  }
0x25: {  	[simem:s6], [sflag:s4] =	dma.local [hbm:s3], $0xF7A  }
0x26: {  	[smem:$0x3F9E] =	sst s1;
	(tag) =	ssettag s2;
	_ =	strace s9  }
0x27: {  	s1 =	sld [smem:$0x3FAE]  }
0x28: {  	s2 =	sld [smem:$0x3FAF]  }
0x29: {  	s4 =	sld [smem:$0x3FB1]  }
0x2a: {  	p0 =	seq.s32 s5, $0x0;
	s5 =	sld [smem:$0x3FB2]  }
0x2b: {  	s6 =	sld [smem:$0x3FB3]  }
0x2c: {  	s7 =	sld [smem:$0x3FB4]  }
0x2d: {  	s3 =	simm.s32 $0x108;
	s8 =	sld [smem:$0x3FB5]  }
0x2e: {  	s3 =	simm.s32 @!p0 $0x1082;
	s9 =	sld [smem:$0x3FB6]  }
0x2f: {  	lr =	sadd.s32 s0, s3;
	s0 =	sld [smem:$0x3FAD]  }
0x30: {  	s3 =	sld [smem:$0x3FB0]  }
0x31: {  	[smem:$0x3FB9] =	sst s10  }
0x32: {  	s10 =	sld [smem:$0x3FB7];
	_ =	sdelay $0x3  }
0x33: {  	p0 =	seq.s32 s10, $0x1;
	s10 =	sld [smem:$0x3FB9];
	_ =	sdelay $0x3  }
0x34: {  	[smem:$0x3FB9] =	sst s10  }
0x35: {  	s10 =	sld [smem:$0x3FB8];
	_ =	sdelay $0x3  }
0x36: {  	p1 =	seq.s32 s10, $0x1;
	s10 =	sld [smem:$0x3FB9];
	_ =	sdelay $0x3  }
0x37: {  	[smem:$0x3FB9] =	sst s10  }
0x38: {  	s10 =	sld [smem:$0x3FBA]  }
0x39: {  	_ = 	snop;
	(pc) =	sbr.ind lr, $3  }
0x3a: {  	_ = 	snop  }
0x3b: {  	_ = 	snop  }
0x3c: {  	p2 =	seq.s32 s10, $0x1;
	s10 =	sld [smem:$0x3FB9]  }
0x3d: {  	_ =	shalt  }
0x3e: {  	_ =	shalt  }
0x3f: {  	_ =	shalt  }
0x40: {  	_ =	shalt  }
0x41: {  	_ =	shalt  }
0x42: {  	_ =	shalt  }
0x43: {  	_ =	shalt  }
0x44: {  	_ =	shalt  }
0x45: {  	_ =	shalt  }
0x46: {  	_ =	shalt  }
0x47: {  	_ =	shalt  }
0x48: {  	_ =	shalt  }
0x49: {  	_ =	shalt  }
0x4a: {  	_ =	shalt  }
0x4b: {  	_ =	shalt  }
0x4c: {  	_ =	shalt  }
0x4d: {  	_ =	shalt  }
0x4e: {  	_ =	shalt  }
0x4f: {  	_ =	shalt  }
0x50: {  	_ =	shalt  }
0x51: {  	_ =	shalt  }
0x52: {  	_ =	shalt  }
0x53: {  	_ =	shalt  }
0x54: {  	_ =	shalt  }
0x55: {  	_ =	shalt  }
0x56: {  	_ =	shalt  }
0x57: {  	_ =	shalt  }
0x58: {  	_ =	shalt  }
0x59: {  	_ =	shalt  }
0x5a: {  	_ =	shalt  }
0x5b: {  	_ =	shalt  }
0x5c: {  	_ =	shalt  }
0x5d: {  	_ =	shalt  }
0x5e: {  	_ =	shalt  }
0x5f: {  	_ =	shalt  }
0x60: {  	_ =	shalt  }
0x61: {  	_ =	shalt  }
0x62: {  	_ =	shalt  }
0x63: {  	_ =	shalt  }
0x64: {  	_ =	shalt  }
0x65: {  	_ =	shalt  }
0x66: {  	_ =	shalt  }
0x67: {  	_ =	shalt  }
0x68: {  	_ =	shalt  }
0x69: {  	_ =	shalt  }
0x6a: {  	_ =	shalt  }
0x6b: {  	_ =	shalt  }
0x6c: {  	_ =	shalt  }
0x6d: {  	_ =	shalt  }
0x6e: {  	_ =	shalt  }
0x6f: {  	_ =	shalt  }
0x70: {  	_ =	shalt  }
0x71: {  	_ =	shalt  }
0x72: {  	_ =	shalt  }
0x73: {  	_ =	shalt  }
0x74: {  	_ =	shalt  }
0x75: {  	_ =	shalt  }
0x76: {  	_ =	shalt  }
0x77: {  	_ =	shalt  }
0x78: {  	_ =	shalt  }
0x79: {  	_ =	shalt  }
0x7a: {  	_ =	shalt  }
0x7b: {  	_ =	shalt  }
0x7c: {  	_ =	shalt  }
0x7d: {  	_ =	shalt  }
0x7e: {  	_ =	shalt  }
0x7f: {  	_ =	shalt  }
0x80: {  	_ =	shalt  }
0x81: {  	_ =	shalt  }
0x82: {  	_ =	shalt  }
0x83: {  	_ =	shalt  }
0x84: {  	_ =	shalt  }
0x85: {  	_ =	shalt  }
0x86: {  	_ =	shalt  }
0x87: {  	_ =	shalt  }
.Lfunc_end0:
.L_simem_size_0:
called_computation_lowered:
.L_overlay_start_0:
0x88: {  	s2 =	sld [smem:$0x3FD9]  }
0x89: {  	s3 =	sld [smem:$0x3FFE];
	_ =	sdelay $0x1  }
0x8a: {  	s1 =	srdreg.scid  }
0x8b: {  	s0 =	sand.u32 $0x1, s1  }
0x8c: {  	s14 =	sshll.u32 s0, $0xA;
	s2 =	sadd.s32 s3, s2  }
0x8d: {  	s2 =	sadd.s32 s2, s14  }
0x8e: {  	[smem:$0x3FC5] =	sst s2  }
0x8f: {  	_ = 	snop  }
0x90: {  	s2 =	sld [smem:$0x3FD0];
	_ =	sdelay $0x2  }
0x91: {  	s15 =	simm.s32 $0xA;
	s4 =	simm.s32 $0x10  }
0x92: {  	[smem:s4], [sflag:s15] =	dma.local [hbm:s2], $0x1  }
0x93: {  	_ =	swait.eq [sflag:s15], $0x1  }
0x94: {  	[sflag:s15] =	ssyncset.done $0x0  }
0x95: {  	[sflag:s15] =	ssyncadd.s32 $0xFFFFFFFF  }
0x96: {  	s16 =	sld [smem:$0x13];
	(tm) =	ssettm $0x1  }
0x97: {  	s17 =	sld [smem:$0x3FFB];
	_ =	sdelay $0x3  }
0x98: {  	_ =	strace s17  }
0x99: {  	s3 =	sld [smem:$0x3FFC];
	_ =	sdelay $0x3  }
0x9a: {  	_ =	strace s3  }
0x9b: {  	s3 =	sld [smem:$0x3FFD];
	_ =	sdelay $0x3  }
0x9c: {  	_ =	strace s3  }
0x9d: {  	_ =	strace $0x8FFFFFFF  }
0x9e: {  	s18 =	sld [smem:$0x3FDB];
	_ =	sdelay $0x1  }
0x9f: {  	s19 =	simm.s32 $_scs_section_size  }
0xa0: {  	s5 =	simm.s32 $_size__tile_overlayer_lowered;
	s6 =	simm.s32 $_tile_overlayer_lowered  }
0xa1: {  	s22 =	simm.s32 $0x1BFF;
	s21 =	sshll.u32 s6, $0x1;
	s3 =	sadd.s32 s19, s18  }
0xa2: {  	s7 =	simm.s32 $0x0;
	s20 =	sshll.u32 s5, $0x1;
	s5 =	sadd.s32 s21, s3  }
0xa3: {  	[timem:s7], [sflag:s22] =	dma.local [hbm:s5], s20  }
0xa4: {  	_ =	swait.ge [sflag:s22], s20  }
0xa5: {  	s4 =	ssub.s32 $0x0, s20;
	[sflag:s22] =	ssyncset.done $0x0  }
0xa6: {  	[sflag:s22] =	ssyncadd.s32 s4;
	_ =	sdelay $0x1  }
0xa7: {  	s23 =	simm.s32 $0x1B8B  }
0xa8: {  	_ =	swait.ge [sflag:s23], $0x1  }
0xa9: {  	[sflag:s23] =	ssyncset.done $0x0  }
0xaa: {  	s25 =	simm.s32 $0x1B8E;
	s24 =	sld [smem:$0x3FFE];
	[sflag:s23] =	ssyncadd.s32 $0xFFFFFFFF  }
0xab: {  	s26 =	simm.s32 $execute0_lowered;
	[smem:$0x3FD2] =	sst s25  }
0xac: {  	s5 =	sshll.u32 s26, $0x1;
	_ =	strace $0x80000046;
	[dreg:$0x1] =	wrdreg $0xFFFFFFFF  }
0xad: {  	s28 =	simm.s32 $_size_execute0_lowered;
	s3 =	sadd.s32 s3, s5;
	[dreg:$0x0] =	wrdreg $0x0  }
0xae: {  	s5 =	sshll.u32 s28, $0x1;
	[dreg:$0x2] =	wrdreg s3  }
0xaf: {  	[dreg:$0x3] =	wrdreg s5  }
0xb0: {  	[dreg:$0x4] =	wrdreg $0xC0  }
0xb1: {  	_ =	task [dreg:s7], $0x5FFFF  }
0xb2: {  	[dreg:$0x1] =	wrdreg $0xFFFFFFFF  }
0xb3: {  	[dreg:$0x0] =	wrdreg $0x60  }
0xb4: {  	[dreg:$0x2] =	wrdreg s24  }
0xb5: {  	[dreg:$0x3] =	wrdreg s16  }
0xb6: {  	[dreg:$0x4] =	wrdreg $0x9  }
0xb7: {  	_ =	task.clear_ibuf [dreg:s7], $0x5FFFF;
	_ =	strace $0x90000046  }
0xb8: {  	s29 =	simm.s32 $0x9;
	_ =	strace $0x80000048  }
0xb9: {  	_ =	swait.ge [sflag:s29], $0x1  }
0xba: {  	[sflag:s29] =	ssyncadd.s32 $0xFFFFFFFF  }
0xbb: {  	_ =	strace $0x90000048  }
0xbc: {  	_ =	sfence  }
0xbd: {  	s30 =	sld [smem:$0x0];
	_ =	sdelay $0x2  }
0xbe: {  	s31 =	sshll.u32 s1, $0xD;
	s1 =	sshrl.u32 s1, $0x2  }
0xbf: {  	s3 =	sand.u32 $0x4000, s31;
	s1 =	sadd.s32 s1, s30  }
0xc0: {  	s0 =	sor.u32 s3, s0;
	s1 =	sshll.u32 s1, $0x11  }
0xc1: {  	s0 =	sor.u32 s1, s0  }
0xc2: {  	s0 =	sadd.s32 $0x8F2B, s0  }
0xc3: {  	[sflag:s0] =	ssyncadd.remote.s32 $0x1  }
0xc4: {  	_ =	sfence.sel $0xFFFF  }
0xc5: {  	[dreg:$0x0] =	wrdreg $0xFFFFFFFF;
	(pc) =	sbr.abs _section_cstart, $3  }
0xc6: {  	[dreg:$0x1] =	wrdreg $0xFFFFFFFF  }
0xc7: {  	_ =	task.clear_ibuf [dreg:s7], $0x2FFFF;
	_ =	strace $0x9FFFFFFF  }
0xc8: {  	(tm) =	ssettm $0x7FFFFFFF  }
0xc9: {  	_ =	shalt  }
tec
execute0_lowered:
.L_overlay_start_1:
0x0: {  	(tag) =	ssettag $0x1  }
0x1: {  	s10 =	rddreg [dreg:$0x0]  }
0x2: {  	s1 =	srdreg.scid;
	s0 =	stileid.u32  }
0x3: {  	s3 =	rddreg [dreg:$0x1];
	s11 =	sand.u32 $0x1, s1;
	s4 =	sshll.u32 s0, $0x1  }
0x4: {  	s2 =	simm.s32 $0x0;
	s1 =	rddreg [dreg:$0x2];
	s12 =	sor.u32 s11, s4  }
0x5: {  	[smem:$0x7FF] =	sst s2;
	s4 =	sshll.u32 s12, $0x5  }
0x6: {  	_ =	strace $0x80000047;
	s4 =	sadd.s32 s3, s4;
	s3 =	simm.s32 $0x2  }
0x7: {  	[tilespmem:s2], [sflag:$0x2] =	stream.linear.gather [hbm4b:s4+s2], $0x100, $0x38;
	[tilespmem:$0x8100] =	vst v63  }
0x8: {  	_ =	swait.ge [sflag:s3], $0x100  }
0x9: {  	s6 =	simm.s32 $0x80;
	[sflag:s3] =	ssyncset.done $0x0  }
0xa: {  	s7 =	simm.s32 $0x100;
	s5 =	sadd.s32 $0x180600, s10;
	[sflag:s3] =	ssyncadd.s32 $0xFFFFFF00  }
0xb: {  	[tilespmem:s7], [sflag:$0x1] =	stream.indirect.gather [hbm4b:s5+s6], $0x80, s2, s6, $0xb8;
	[tilespmem:$0x8100] =	vst v63  }
0xc: {  	s8 =	simm.s32 $0x4100;
	s9 =	simm.s32 $0x1;
	s11 =	ssub.s32 $0x2, s11  }
0xd: {  	[tilespmem:s8], [sflag:$0x1] =	stream.indirect.gather [hbm4b:s5+s6], $0x80, s6, s6, $0xb8;
	[tilespmem:$0x8100] =	vst v63  }
0xe: {  	s13 =	sshrl.u32 s11, $0x1;
	_ =	swait.ge [sflag:s9], $0x4000  }
0xf: {  	s11 =	ssub.s32 s11, s13;
	[sflag:s9] =	ssyncset.done $0x0  }
0x10: {  	s11 =	smax.u32 s11, $0x1;
	[sflag:s9] =	ssyncadd.s32 $0xFFFFC000  }
0x11: {  	s12 =	sshll.u32 s12, $0xC;
	p0 =	sne.s32 s11, $0x1;
	_ =	swait.ge [sflag:s9], $0x4000  }
.Ltmp0:
0x12: {  	s10 =	sadd.s32 s12, s10;
	[sflag:s9] =	ssyncset.done $0x0;
	(pc) =	sbr.rel @!p0 .LBB2_2-.Ltmp0, $4  }
0x13: {  	s10 =	sadd.s32 $0x600, s10;
	[sflag:s9] =	ssyncadd.s32 $0xFFFFC000  }
0x14: {  	[hbm4b:s10+s2] =	stream.linear.scatter [tilespmem:s7], [sflag:$0x2], $0x8000, $0x38;
	[tilespmem:$0x8100] =	vst v63  }
0x15: {  	_ =	swait.ge [sflag:s3], $0x8000  }
0x16: {  	s11 =	sadd.s32 $0xFFFFFFFF, s11;
	[sflag:s3] =	ssyncset.done $0x0  }
.LBB2_1:
0x17: {  	p0 =	sne.s32 s11, $0x1;
	s11 =	sadd.s32 $0xFFFFFFFF, s11;
	[sflag:s3] =	ssyncadd.s32 $0xFFFF8000  }
0x18: {  	[tilespmem:s2], [sflag:$0x2] =	stream.linear.gather [hbm4b:s4+s2], $0x100, $0x38;
	[tilespmem:$0x8100] =	vst v63  }
0x19: {  	_ =	swait.ge [sflag:s3], $0x100  }
0x1a: {  	[sflag:s3] =	ssyncset.done $0x0  }
0x1b: {  	[sflag:s3] =	ssyncadd.s32 $0xFFFFFF00  }
0x1c: {  	[tilespmem:s7], [sflag:$0x1] =	stream.indirect.gather [hbm4b:s5+s6], $0x80, s2, s6, $0xb8;
	[tilespmem:$0x8100] =	vst v63  }
0x1d: {  	_ = 	snop  }
0x1e: {  	[tilespmem:s8], [sflag:$0x1] =	stream.indirect.gather [hbm4b:s5+s6], $0x80, s6, s6, $0xb8;
	[tilespmem:$0x8100] =	vst v63  }
0x1f: {  	_ =	swait.ge [sflag:s9], $0x4000  }
0x20: {  	[sflag:s9] =	ssyncset.done $0x0  }
0x21: {  	[sflag:s9] =	ssyncadd.s32 $0xFFFFC000  }
0x22: {  	_ =	swait.ge [sflag:s9], $0x4000  }
.Ltmp1:
0x23: {  	[sflag:s9] =	ssyncset.done $0x0;
	(pc) =	sbr.rel @p0 .LBB2_1-.Ltmp1, $4  }
0x24: {  	[sflag:s9] =	ssyncadd.s32 $0xFFFFC000  }
0x25: {  	[hbm4b:s10+s2] =	stream.linear.scatter [tilespmem:s7], [sflag:$0x2], $0x8000, $0x38;
	[tilespmem:$0x8100] =	vst v63  }
0x26: {  	_ =	swait.ge [sflag:s3], $0x8000  }
0x27: {  	[sflag:s3] =	ssyncset.done $0x0  }
.LBB2_2:
0x28: {  	[sflag:s3] =	ssyncadd.s32 $0xFFFF8000  }
0x29: {  	_ =	sfence.sel $0x180000  }
0x2a: {  	[bflag:$0x0] =	sbarrier.arrive $0xFFFF  }
0x2b: {  	p0 =	sne.s32 s0, $0x0;
	_ =	strace $0x90000047  }
0x2c: {  	s0 =	sadd.s32 @!p0 $0x100000, s1;
	[bflag:$0x2] =	sbarrier.arrive $0xFFFF  }
0x2d: {  	[sflag:s0] =	ssyncadd.tile.s32 @!p0 $0x1;
	_ =	shalt  }
.Lfunc_end2:
_tile_overlayer_lowered:
.L_overlay_start_2:
0x2e: {  	(tag) =	ssettag $0x2  }
0x2f: {  	s0 =	rddreg [dreg:$0x0];
	s2 =	stileid.u32  }
0x30: {  	s1 =	rddreg [dreg:$0x1];
	p0 =	sne.s32 s2, $0x0  }
0x31: {  	s3 =	rddreg [dreg:$0x2];
	[bflag:$0x3] =	sbarrier.arrive $0xFFFF;
	s2 =	simm.s32 @!p0 $0x1C02  }
0x32: {  	[timem:s3], [sflag:s2] =	dma.local @!p0 [hbm:s0], s1  }
0x33: {  	s0 =	simm.s32 @!p0 $0x2  }
0x34: {  	_ =	swait.ge @!p0 [sflag:s0], s1  }
0x35: {  	s1 =	ssub.s32 @!p0 $0x0, s1;
	[sflag:s0] =	ssyncset.done @!p0 $0x0  }
0x36: {  	[sflag:s0] =	ssyncadd.s32 @!p0 s1  }
0x37: {  	[bflag:$0x3] =	sbarrier.arrive $0xFFFF  }
0x38: {  	_ =	shalt  }

</sc_bundles>
